<compile_context>
chip_gen: v7x
topology: tpu7x:2x2x1
jax: 0.10.2.dev20260603
libtpu: 0.0.44.dev20260713+nightly
codegen_flags: <defaults>
</compile_context>

<pallas_src>
import functools
import math

import jax
import jax.numpy as jnp
from jax import lax
from jax.experimental import pallas as pl
from jax.experimental.pallas import tpu as pltpu
from jax.experimental.pallas import tpu_sc as plsc

B, S, D, R, NK = 4, 128, 256, 64, 100000
CK, FK = 20, 10
T = B * S
TILE = 128
NT = 784
NKP = NT * TILE
TNB = 2048
GB = TNB // TILE
NSTEPS = NKP // TNB
SEL_T = 24
POOL = SEL_T * TILE
TB = 128
NEG = float("-inf")
IMAX = 2**31 - 1


NTP = 896


def _router_body(x_ref, w_ref, logits_ref, sel_ref, mx_ref, buf_ref):
    step = pl.program_id(0)
    logits = jnp.dot(x_ref[...], w_ref[...], preferred_element_type=jnp.float32)
    logits_ref[...] = logits
    col = step * TNB + lax.broadcasted_iota(jnp.int32, (1, TNB), 1)
    lv = jnp.where(col < NK, logits, NEG)
    gmax = jnp.concatenate(
        [jnp.max(lv[:, g * TILE:(g + 1) * TILE], axis=-1, keepdims=True)
         for g in range(GB)], axis=1)
    lane = lax.broadcasted_iota(jnp.int32, (T, TILE), 1)
    tile8 = jnp.concatenate([gmax] * (TILE // GB), axis=1)
    buf_ref[...] = jnp.where(lane // GB == step % (TILE // GB),
                             tile8, buf_ref[...])
    mx_ref[:, pl.ds(pl.multiple_of((step // (TILE // GB)) * TILE, TILE),
                    TILE)] = buf_ref[...]

    @pl.when(step == NSTEPS - 1)
    def _select():
        tid = lax.broadcasted_iota(jnp.int32, (T, NTP), 1)
        its = lax.broadcasted_iota(jnp.int32, (T, SEL_T), 1)
        mx0 = jnp.where(tid < NT, mx_ref[...], NEG)

        def body(j, carry):
            mx, acc = carry
            m = jnp.max(mx, axis=-1, keepdims=True)
            s = jnp.min(jnp.where(mx == m, tid, IMAX), axis=-1, keepdims=True)
            acc = jnp.where(its == j, s, acc)
            mx = jnp.where(tid == s, NEG, mx)
            return mx, acc

        _, selcols = lax.fori_loop(
            0, SEL_T, body, (mx0, jnp.zeros((T, SEL_T), jnp.int32)))
        rowbase = lax.broadcasted_iota(jnp.int32, (T, SEL_T), 0) * NT
        sel_ref[...] = rowbase + selcols


def _run_router(x2, rw):
    return pl.pallas_call(
        _router_body,
        grid=(NSTEPS,),
        in_specs=[
            pl.BlockSpec((T, D), lambda i: (0, 0)),
            pl.BlockSpec((D, TNB), lambda i: (0, i)),
        ],
        out_specs=[
            pl.BlockSpec((T, TNB), lambda i: (0, i)),
            pl.BlockSpec((T, SEL_T), lambda i: (0, 0)),
        ],
        out_shape=[
            jax.ShapeDtypeStruct((T, NKP), jnp.float32),
            jax.ShapeDtypeStruct((T, SEL_T), jnp.int32),
        ],
        scratch_shapes=[pltpu.VMEM((T, NTP), jnp.float32),
                        pltpu.VMEM((T, TILE), jnp.float32)],
        compiler_params=pltpu.CompilerParams(
            dimension_semantics=("arbitrary",)),
    )(x2, rw)


_info = plsc.get_sparse_core_info()
_NC, _NS = _info.num_cores, _info.num_subcores
_NW = _NC * _NS


def _sc_gather(table, idx, rows_total, d):
    bpw = rows_total // _NW
    mesh = plsc.VectorSubcoreMesh(core_axis_name="c", subcore_axis_name="s")

    @functools.partial(
        pl.kernel, mesh=mesh,
        out_type=jax.ShapeDtypeStruct((rows_total, d), jnp.float32),
        scratch_types=[
            pltpu.VMEM((bpw,), jnp.int32),
            pltpu.VMEM((bpw, d), jnp.float32),
            pltpu.SemaphoreType.DMA,
        ],
    )
    def gk(table_hbm, idx_hbm, out_hbm, idx_v, rows_v, sem):
        wid = lax.axis_index("s") * _NC + lax.axis_index("c")
        base = wid * bpw
        pltpu.sync_copy(idx_hbm.at[pl.ds(base, bpw)], idx_v)
        off = 0
        while off < bpw:
            cs = min(128, bpw - off)
            pltpu.async_copy(table_hbm.at[idx_v.at[pl.ds(off, cs)]],
                             rows_v.at[pl.ds(off, cs)], sem).wait()
            off += cs
        pltpu.sync_copy(rows_v, out_hbm.at[pl.ds(base, bpw)])

    return gk(table, idx)


def _coarse_body(pool_ref, sel_ref, h_ref, wqt_ref, cs_ref, ci_ref, q_ref):
    t0 = pl.program_id(0) * TB
    tglob = t0 + lax.broadcasted_iota(jnp.int32, (TB, 1), 0)
    tau = sel_ref[...] - tglob * NT
    off128 = lax.broadcasted_iota(jnp.int32, (TB, TILE), 1)
    gid = jnp.concatenate(
        [tau[:, j:j + 1] * TILE + off128 for j in range(SEL_T)], axis=1)
    vals = jnp.where(gid < NK, pool_ref[...], NEG)
    itc = lax.broadcasted_iota(jnp.int32, (TB, CK), 1)

    def body(j, carry):
        vals, cs, ci = carry
        m = jnp.max(vals, axis=-1, keepdims=True)
        s = jnp.min(jnp.where(vals == m, gid, IMAX), axis=-1, keepdims=True)
        cs = jnp.where(itc == j, m, cs)
        ci = jnp.where(itc == j, s, ci)
        vals = jnp.where(gid == s, NEG, vals)
        return vals, cs, ci

    _, cs, ci = lax.fori_loop(
        0, CK, body,
        (vals, jnp.zeros((TB, CK), jnp.float32), jnp.zeros((TB, CK), jnp.int32)))
    cs_ref[...] = cs
    ci_ref[...] = ci
    q_ref[...] = jnp.dot(h_ref[...], wqt_ref[...],
                         preferred_element_type=jnp.float32)


def _run_coarse(pool, selflat, h2, wqt):
    return pl.pallas_call(
        _coarse_body,
        grid=(T // TB,),
        in_specs=[
            pl.BlockSpec((TB, POOL), lambda i: (i, 0)),
            pl.BlockSpec((TB, SEL_T), lambda i: (i, 0)),
            pl.BlockSpec((TB, R), lambda i: (i, 0)),
            pl.BlockSpec((R, R), lambda i: (0, 0)),
        ],
        out_specs=[
            pl.BlockSpec((TB, CK), lambda i: (i, 0)),
            pl.BlockSpec((TB, CK), lambda i: (i, 0)),
            pl.BlockSpec((TB, R), lambda i: (i, 0)),
        ],
        out_shape=[
            jax.ShapeDtypeStruct((T, CK), jnp.float32),
            jax.ShapeDtypeStruct((T, CK), jnp.int32),
            jax.ShapeDtypeStruct((T, R), jnp.float32),
        ],
    )(pool, selflat, h2, wqt)


def _fine_body(q_ref, kc_ref, ci_ref, fw_ref, fi_ref):
    q = q_ref[...]
    kc = kc_ref[...]
    ci = ci_ref[...]
    parts = []
    for j in range(CK):
        odd = (ci[:, j:j + 1] % 2) == 1
        kj = jnp.where(odd, kc[:, j * 2 * R + R:(j + 1) * 2 * R],
                       kc[:, j * 2 * R:j * 2 * R + R])
        parts.append(jnp.sum(kj * q, axis=-1, keepdims=True))
    sc = jnp.concatenate(parts, axis=1) / math.sqrt(R)
    it20 = lax.broadcasted_iota(jnp.int32, (TB, CK), 1)
    it10 = lax.broadcasted_iota(jnp.int32, (TB, FK), 1)
    def body(j, carry):
        sc, fs, fi = carry
        m = jnp.max(sc, axis=-1, keepdims=True)
        p = jnp.min(jnp.where(sc == m, it20, IMAX), axis=-1, keepdims=True)
        g = jnp.min(jnp.where(it20 == p, ci, IMAX), axis=-1, keepdims=True)
        fs = jnp.where(it10 == j, m, fs)
        fi = jnp.where(it10 == j, g, fi)
        sc = jnp.where(it20 == p, NEG, sc)
        return sc, fs, fi

    _, fs, fi = lax.fori_loop(
        0, FK, body,
        (sc, jnp.zeros((TB, FK), jnp.float32), jnp.zeros((TB, FK), jnp.int32)))
    e = jnp.exp(fs - fs[:, 0:1])
    fw_ref[...] = e / jnp.sum(e, axis=-1, keepdims=True)
    fi_ref[...] = fi


def _run_fine(q, kc, ci):
    return pl.pallas_call(
        _fine_body,
        grid=(T // TB,),
        in_specs=[
            pl.BlockSpec((TB, R), lambda i: (i, 0)),
            pl.BlockSpec((TB, CK * 2 * R), lambda i: (i, 0)),
            pl.BlockSpec((TB, CK), lambda i: (i, 0)),
        ],
        out_specs=[
            pl.BlockSpec((TB, FK), lambda i: (i, 0)),
            pl.BlockSpec((TB, FK), lambda i: (i, 0)),
        ],
        out_shape=[
            jax.ShapeDtypeStruct((T, FK), jnp.float32),
            jax.ShapeDtypeStruct((T, FK), jnp.int32),
        ],
    )(q, kc, ci)


def _combine_body(rows_ref, fw_ref, out_ref):
    rows = rows_ref[...]
    fw = fw_ref[...]
    acc = jnp.zeros((TB, D), jnp.float32)
    for j in range(FK):
        acc = acc + rows[:, j * D:(j + 1) * D] * fw[:, j:j + 1]
    out_ref[...] = acc


def _run_combine(vrows, fw):
    return pl.pallas_call(
        _combine_body,
        grid=(T // TB,),
        in_specs=[
            pl.BlockSpec((TB, FK * D), lambda i: (i, 0)),
            pl.BlockSpec((TB, FK), lambda i: (i, 0)),
        ],
        out_specs=pl.BlockSpec((TB, D), lambda i: (i, 0)),
        out_shape=jax.ShapeDtypeStruct((T, D), jnp.float32),
    )(vrows, fw)


def kernel(x, h, router_weight, W_q, K_all, V_all):
    x2 = x.reshape(T, D)
    h2 = h.reshape(T, R)
    wqt = W_q.T
    logits, selflat = _run_router(x2, router_weight)
    pool = _sc_gather(logits.reshape(T * NT, TILE), selflat.reshape(-1),
                      T * SEL_T, TILE)
    cs, ci, q = _run_coarse(pool.reshape(T, POOL), selflat, h2, wqt)
    kc = _sc_gather(K_all.reshape(NK // 2, 2 * R), ci.reshape(-1) // 2,
                    T * CK, 2 * R)
    fw, fi = _run_fine(q, kc.reshape(T, CK * 2 * R), ci)
    vrows = _sc_gather(V_all, fi.reshape(-1), T * FK, D)
    out = _run_combine(vrows.reshape(T, FK * D), fw)
    return (out.reshape(B, S, D), cs.reshape(B, S, CK), ci.reshape(B, S, CK),
            fi.reshape(B, S, FK), fw.reshape(B, S, FK))

# --- scband reference (transcript-rebuilt; emitter-appended) ---
"""Pipeline reference for scband-neuron-memory-64278480552598 (READ-ONLY COPY).

The authoritative reference and input builder live on the scoring server;
editing this copy changes nothing except your own understanding.
"""

import math
import jax, jax.numpy as jnp
import numpy as np

B, S, D, R, NK = 4, 128, 256, 64, 100000
COARSE_K, FINE_K = 20, 10

def setup_inputs(seed: int = 0) -> dict:
    key = jax.random.key(seed)
    ks = jax.random.split(key, 6)
    x = jax.random.normal(ks[0], (B, S, D), dtype=jnp.float32)
    h = jax.random.normal(ks[1], (B, S, R), dtype=jnp.float32)
    # router.get_logits(x, 'knowledge') approximated as a learned linear map
    router_weight = jax.random.normal(ks[2], (D, NK), dtype=jnp.float32) * 0.02
    # proj_q: nn.Linear(rank, knowledge_rank, bias=False) weight [knowledge_rank, rank]
    W_q = jax.random.normal(ks[3], (R, R), dtype=jnp.float32) * (1.0 / math.sqrt(R))
    # shared_neurons.knowledge_neurons_K / _V, init std=0.02
    K_all = jax.random.normal(ks[4], (NK, R), dtype=jnp.float32) * 0.02
    V_all = jax.random.normal(ks[5], (NK, D), dtype=jnp.float32) * 0.02
    return {"x": x, "h": h, "router_weight": router_weight, "W_q": W_q, "K_all": K_all, "V_all": V_all}

def reference(x, h, router_weight, W_q, K_all, V_all):
    kr = K_all.shape[1]
    # Stage 1: coarse candidate selection via router logits
    k_logits = jnp.einsum('bsd,dn->bsn', x, router_weight)  # [B,S,NK]
    coarse_scores, candidate_idx = jax.lax.top_k(k_logits, COARSE_K)  # [B,S,coarse_k]
    # (training-only router.update_usage skipped: eval mode)
    # Stage 2: fine matching within candidates
    query = jnp.einsum('bsr,kr->bsk', h, W_q)  # nn.Linear y = h @ W_q^T, [B,S,kr]
    K_candidates = jnp.take(K_all, candidate_idx, axis=0)  # [B,S,coarse_k,kr]
    fine_scores = jnp.einsum('bsd,bscd->bsc', query, K_candidates) / math.sqrt(kr)
    fine_topk_scores, fine_topk_local_idx = jax.lax.top_k(fine_scores, FINE_K)
    fine_weights = jax.nn.softmax(fine_topk_scores, axis=-1)
    fine_global_idx = jnp.take_along_axis(candidate_idx, fine_topk_local_idx, axis=-1)
    selected_V = jnp.take(V_all, fine_global_idx, axis=0)  # [B,S,fine_k,D]
    output = jnp.sum(selected_V * fine_weights[..., None], axis=2)  # [B,S,D]
    return (output, coarse_scores, candidate_idx, fine_global_idx, fine_weights)

if __name__ == "__main__":
    import jax
    _d = setup_inputs()
    print(jax.jit(kernel)(*tuple(_d.values())))

</pallas_src>

<mosaic_0001>
#map = affine_map<(d0, d1) -> (0, 0)>
#map1 = affine_map<(d0, d1) -> (0)>
module attributes {stable_mosaic.version = 14 : i64} {
  func.func @gk(%arg0: i32, %arg1: i32, %arg2: memref<401408x128xf32, #tpu.memory_space<hbm>>, %arg3: memref<12288xi32, #tpu.memory_space<hbm>>, %arg4: memref<12288x128xf32, #tpu.memory_space<hbm>>, %arg5: memref<384xi32, #tpu.memory_space<vmem>>, %arg6: memref<384x128xf32, #tpu.memory_space<vmem>>, %arg7: memref<!tpu.dma_semaphore, #tpu.memory_space<semaphore_mem>>) attributes {dimension_semantics = [#tpu.dimension_semantics<core_parallel>, #tpu.dimension_semantics<subcore_parallel>], iteration_bounds = array<i64: 2, 16>, scalar_prefetch = 0 : i64, scratch_operands = 3 : i64, tpu.core_type = #tpu.core_type<sc_vector_subcore>, window_params = [{transform_indices = #map}, {transform_indices = #map1}, {transform_indices = #map}]} {
    %mul3A = arith.constant 2 : i32
    %mul3A_0 = arith.muli %arg1, %mul3A : i32
    %add3A = arith.addi %mul3A_0, %arg0 : i32
    %mul3A_1 = arith.constant 384 : i32
    %mul3A_2 = arith.muli %add3A, %mul3A_1 : i32
    "tpu.region"() ({
      %run_scoped3A = tpu.sem_alloc : memref<!tpu.dma_semaphore, #tpu.memory_space<semaphore_mem>>
      %dma_start3A_49 = tpu.memref_slice %arg3[%mul3A_2] : memref<12288xi32, #tpu.memory_space<hbm>> -> memref<384xi32, #tpu.memory_space<hbm>>
      %dma_start3A_50 = tpu.memref_slice %arg3[%mul3A_2] : memref<12288xi32, #tpu.memory_space<hbm>> -> memref<384xi32, #tpu.memory_space<hbm>>
      tpu.enqueue_dma source(%dma_start3A_50 : memref<384xi32, #tpu.memory_space<hbm>>) target(%arg5 : memref<384xi32, #tpu.memory_space<vmem>>) target_semaphore(%run_scoped3A : memref<!tpu.dma_semaphore, #tpu.memory_space<semaphore_mem>>)
      %dma_wait3A_51 = tpu.memref_slice %arg3[%mul3A_2] : memref<12288xi32, #tpu.memory_space<hbm>> -> memref<384xi32, #tpu.memory_space<hbm>>
      %dma_wait3A_52 = tpu.memref_slice %arg3[%mul3A_2] : memref<12288xi32, #tpu.memory_space<hbm>> -> memref<384xi32, #tpu.memory_space<hbm>>
      tpu.wait_dma2 semaphore(%run_scoped3A : memref<!tpu.dma_semaphore, #tpu.memory_space<semaphore_mem>>) src(%dma_wait3A_52 : memref<384xi32, #tpu.memory_space<hbm>>) dst(%arg5 : memref<384xi32, #tpu.memory_space<vmem>>)
      tpu.yield
    }) : () -> ()
    %dma_start3A = arith.constant 0 : i32
    %dma_start3A_3 = arith.constant 0 : i32
    %dma_start3A_4 = tpu.memref_slice %arg6[%dma_start3A, %dma_start3A_3] : memref<384x128xf32, #tpu.memory_space<vmem>> -> memref<128x128xf32, #tpu.memory_space<vmem>>
    %dma_start3A_5 = arith.constant 0 : i32
    %dma_start3A_6 = tpu.memref_slice %arg5[%dma_start3A_5] : memref<384xi32, #tpu.memory_space<vmem>> -> memref<128xi32, #tpu.memory_space<vmem>>
    %dma_start3A_7 = arith.constant 0 : i32
    %dma_start3A_8 = arith.constant 0 : i32
    %dma_start3A_9 = tpu.memref_slice %arg2[%dma_start3A_7, %dma_start3A_8] : memref<401408x128xf32, #tpu.memory_space<hbm>> -> memref<401408x128xf32, #tpu.memory_space<hbm>>
    tpu.enqueue_indirect_dma source(%dma_start3A_9 : memref<401408x128xf32, #tpu.memory_space<hbm>>) target(%dma_start3A_4 : memref<128x128xf32, #tpu.memory_space<vmem>>) offsets(%dma_start3A_6 : memref<128xi32, #tpu.memory_space<vmem>>) semaphore(%arg7 : memref<!tpu.dma_semaphore, #tpu.memory_space<semaphore_mem>>)
    %dma_wait3A = arith.constant 0 : i32
    %dma_wait3A_10 = arith.constant 0 : i32
    %dma_wait3A_11 = tpu.memref_slice %arg6[%dma_wait3A, %dma_wait3A_10] : memref<384x128xf32, #tpu.memory_space<vmem>> -> memref<128x128xf32, #tpu.memory_space<vmem>>
    %dma_wait3A_12 = arith.constant 0 : i32
    %dma_wait3A_13 = tpu.memref_slice %arg5[%dma_wait3A_12] : memref<384xi32, #tpu.memory_space<vmem>> -> memref<128xi32, #tpu.memory_space<vmem>>
    %dma_wait3A_14 = arith.constant 0 : i32
    %dma_wait3A_15 = arith.constant 0 : i32
    %dma_wait3A_16 = tpu.memref_slice %arg2[%dma_wait3A_14, %dma_wait3A_15] : memref<401408x128xf32, #tpu.memory_space<hbm>> -> memref<401408x128xf32, #tpu.memory_space<hbm>>
    tpu.wait_indirect_dma semaphore(%arg7 : memref<!tpu.dma_semaphore, #tpu.memory_space<semaphore_mem>>) src(%dma_wait3A_16 : memref<401408x128xf32, #tpu.memory_space<hbm>>) dst(%dma_wait3A_11 : memref<128x128xf32, #tpu.memory_space<vmem>>)
    %dma_start3A_17 = arith.constant 128 : i32
    %dma_start3A_18 = arith.constant 0 : i32
    %dma_start3A_19 = tpu.memref_slice %arg6[%dma_start3A_17, %dma_start3A_18] : memref<384x128xf32, #tpu.memory_space<vmem>> -> memref<128x128xf32, #tpu.memory_space<vmem>>
    %dma_start3A_20 = arith.constant 128 : i32
    %dma_start3A_21 = tpu.memref_slice %arg5[%dma_start3A_20] : memref<384xi32, #tpu.memory_space<vmem>> -> memref<128xi32, #tpu.memory_space<vmem>>
    %dma_start3A_22 = arith.constant 0 : i32
    %dma_start3A_23 = arith.constant 0 : i32
    %dma_start3A_24 = tpu.memref_slice %arg2[%dma_start3A_22, %dma_start3A_23] : memref<401408x128xf32, #tpu.memory_space<hbm>> -> memref<401408x128xf32, #tpu.memory_space<hbm>>
    tpu.enqueue_indirect_dma source(%dma_start3A_24 : memref<401408x128xf32, #tpu.memory_space<hbm>>) target(%dma_start3A_19 : memref<128x128xf32, #tpu.memory_space<vmem>>) offsets(%dma_start3A_21 : memref<128xi32, #tpu.memory_space<vmem>>) semaphore(%arg7 : memref<!tpu.dma_semaphore, #tpu.memory_space<semaphore_mem>>)
    %dma_wait3A_25 = arith.constant 128 : i32
    %dma_wait3A_26 = arith.constant 0 : i32
    %dma_wait3A_27 = tpu.memref_slice %arg6[%dma_wait3A_25, %dma_wait3A_26] : memref<384x128xf32, #tpu.memory_space<vmem>> -> memref<128x128xf32, #tpu.memory_space<vmem>>
    %dma_wait3A_28 = arith.constant 128 : i32
    %dma_wait3A_29 = tpu.memref_slice %arg5[%dma_wait3A_28] : memref<384xi32, #tpu.memory_space<vmem>> -> memref<128xi32, #tpu.memory_space<vmem>>
    %dma_wait3A_30 = arith.constant 0 : i32
    %dma_wait3A_31 = arith.constant 0 : i32
    %dma_wait3A_32 = tpu.memref_slice %arg2[%dma_wait3A_30, %dma_wait3A_31] : memref<401408x128xf32, #tpu.memory_space<hbm>> -> memref<401408x128xf32, #tpu.memory_space<hbm>>
    tpu.wait_indirect_dma semaphore(%arg7 : memref<!tpu.dma_semaphore, #tpu.memory_space<semaphore_mem>>) src(%dma_wait3A_32 : memref<401408x128xf32, #tpu.memory_space<hbm>>) dst(%dma_wait3A_27 : memref<128x128xf32, #tpu.memory_space<vmem>>)
    %dma_start3A_33 = arith.constant 256 : i32
    %dma_start3A_34 = arith.constant 0 : i32
    %dma_start3A_35 = tpu.memref_slice %arg6[%dma_start3A_33, %dma_start3A_34] : memref<384x128xf32, #tpu.memory_space<vmem>> -> memref<128x128xf32, #tpu.memory_space<vmem>>
    %dma_start3A_36 = arith.constant 256 : i32
    %dma_start3A_37 = tpu.memref_slice %arg5[%dma_start3A_36] : memref<384xi32, #tpu.memory_space<vmem>> -> memref<128xi32, #tpu.memory_space<vmem>>
    %dma_start3A_38 = arith.constant 0 : i32
    %dma_start3A_39 = arith.constant 0 : i32
    %dma_start3A_40 = tpu.memref_slice %arg2[%dma_start3A_38, %dma_start3A_39] : memref<401408x128xf32, #tpu.memory_space<hbm>> -> memref<401408x128xf32, #tpu.memory_space<hbm>>
    tpu.enqueue_indirect_dma source(%dma_start3A_40 : memref<401408x128xf32, #tpu.memory_space<hbm>>) target(%dma_start3A_35 : memref<128x128xf32, #tpu.memory_space<vmem>>) offsets(%dma_start3A_37 : memref<128xi32, #tpu.memory_space<vmem>>) semaphore(%arg7 : memref<!tpu.dma_semaphore, #tpu.memory_space<semaphore_mem>>)
    %dma_wait3A_41 = arith.constant 256 : i32
    %dma_wait3A_42 = arith.constant 0 : i32
    %dma_wait3A_43 = tpu.memref_slice %arg6[%dma_wait3A_41, %dma_wait3A_42] : memref<384x128xf32, #tpu.memory_space<vmem>> -> memref<128x128xf32, #tpu.memory_space<vmem>>
    %dma_wait3A_44 = arith.constant 256 : i32
    %dma_wait3A_45 = tpu.memref_slice %arg5[%dma_wait3A_44] : memref<384xi32, #tpu.memory_space<vmem>> -> memref<128xi32, #tpu.memory_space<vmem>>
    %dma_wait3A_46 = arith.constant 0 : i32
    %dma_wait3A_47 = arith.constant 0 : i32
    %dma_wait3A_48 = tpu.memref_slice %arg2[%dma_wait3A_46, %dma_wait3A_47] : memref<401408x128xf32, #tpu.memory_space<hbm>> -> memref<401408x128xf32, #tpu.memory_space<hbm>>
    tpu.wait_indirect_dma semaphore(%arg7 : memref<!tpu.dma_semaphore, #tpu.memory_space<semaphore_mem>>) src(%dma_wait3A_48 : memref<401408x128xf32, #tpu.memory_space<hbm>>) dst(%dma_wait3A_43 : memref<128x128xf32, #tpu.memory_space<vmem>>)
    "tpu.region"() ({
      %run_scoped3A = tpu.sem_alloc : memref<!tpu.dma_semaphore, #tpu.memory_space<semaphore_mem>>
      %dma_start3A_49 = arith.constant 0 : i32
      %dma_start3A_50 = tpu.memref_slice %arg4[%mul3A_2, %dma_start3A_49] : memref<12288x128xf32, #tpu.memory_space<hbm>> -> memref<384x128xf32, #tpu.memory_space<hbm>>
      %dma_start3A_51 = arith.constant 0 : i32
      %dma_start3A_52 = tpu.memref_slice %arg4[%mul3A_2, %dma_start3A_51] : memref<12288x128xf32, #tpu.memory_space<hbm>> -> memref<384x128xf32, #tpu.memory_space<hbm>>
      tpu.enqueue_dma source(%arg6 : memref<384x128xf32, #tpu.memory_space<vmem>>) target(%dma_start3A_52 : memref<384x128xf32, #tpu.memory_space<hbm>>) target_semaphore(%run_scoped3A : memref<!tpu.dma_semaphore, #tpu.memory_space<semaphore_mem>>)
      %dma_wait3A_53 = arith.constant 0 : i32
      %dma_wait3A_54 = tpu.memref_slice %arg4[%mul3A_2, %dma_wait3A_53] : memref<12288x128xf32, #tpu.memory_space<hbm>> -> memref<384x128xf32, #tpu.memory_space<hbm>>
      %dma_wait3A_55 = arith.constant 0 : i32
      %dma_wait3A_56 = tpu.memref_slice %arg4[%mul3A_2, %dma_wait3A_55] : memref<12288x128xf32, #tpu.memory_space<hbm>> -> memref<384x128xf32, #tpu.memory_space<hbm>>
      tpu.wait_dma2 semaphore(%run_scoped3A : memref<!tpu.dma_semaphore, #tpu.memory_space<semaphore_mem>>) src(%arg6 : memref<384x128xf32, #tpu.memory_space<vmem>>) dst(%dma_wait3A_56 : memref<384x128xf32, #tpu.memory_space<hbm>>)
      tpu.yield
    }) : () -> ()
    return
  }
}

#map = affine_map<(d0, d1) -> (0, 0)>
#map1 = affine_map<(d0, d1) -> (0)>
module attributes {stable_mosaic.version = 14 : i64} {
  func.func @gk(%arg0: i32, %arg1: i32, %arg2: memref<50000x128xf32, #tpu.memory_space<hbm>>, %arg3: memref<10240xi32, #tpu.memory_space<hbm>>, %arg4: memref<10240x128xf32, #tpu.memory_space<hbm>>, %arg5: memref<320xi32, #tpu.memory_space<vmem>>, %arg6: memref<320x128xf32, #tpu.memory_space<vmem>>, %arg7: memref<!tpu.dma_semaphore, #tpu.memory_space<semaphore_mem>>) attributes {dimension_semantics = [#tpu.dimension_semantics<core_parallel>, #tpu.dimension_semantics<subcore_parallel>], iteration_bounds = array<i64: 2, 16>, scalar_prefetch = 0 : i64, scratch_operands = 3 : i64, tpu.core_type = #tpu.core_type<sc_vector_subcore>, window_params = [{transform_indices = #map}, {transform_indices = #map1}, {transform_indices = #map}]} {
    %mul3A = arith.constant 2 : i32
    %mul3A_0 = arith.muli %arg1, %mul3A : i32
    %add3A = arith.addi %mul3A_0, %arg0 : i32
    %mul3A_1 = arith.constant 320 : i32
    %mul3A_2 = arith.muli %add3A, %mul3A_1 : i32
    "tpu.region"() ({
      %run_scoped3A = tpu.sem_alloc : memref<!tpu.dma_semaphore, #tpu.memory_space<semaphore_mem>>
      %dma_start3A_49 = tpu.memref_slice %arg3[%mul3A_2] : memref<10240xi32, #tpu.memory_space<hbm>> -> memref<320xi32, #tpu.memory_space<hbm>>
      %dma_start3A_50 = tpu.memref_slice %arg3[%mul3A_2] : memref<10240xi32, #tpu.memory_space<hbm>> -> memref<320xi32, #tpu.memory_space<hbm>>
      tpu.enqueue_dma source(%dma_start3A_50 : memref<320xi32, #tpu.memory_space<hbm>>) target(%arg5 : memref<320xi32, #tpu.memory_space<vmem>>) target_semaphore(%run_scoped3A : memref<!tpu.dma_semaphore, #tpu.memory_space<semaphore_mem>>)
      %dma_wait3A_51 = tpu.memref_slice %arg3[%mul3A_2] : memref<10240xi32, #tpu.memory_space<hbm>> -> memref<320xi32, #tpu.memory_space<hbm>>
      %dma_wait3A_52 = tpu.memref_slice %arg3[%mul3A_2] : memref<10240xi32, #tpu.memory_space<hbm>> -> memref<320xi32, #tpu.memory_space<hbm>>
      tpu.wait_dma2 semaphore(%run_scoped3A : memref<!tpu.dma_semaphore, #tpu.memory_space<semaphore_mem>>) src(%dma_wait3A_52 : memref<320xi32, #tpu.memory_space<hbm>>) dst(%arg5 : memref<320xi32, #tpu.memory_space<vmem>>)
      tpu.yield
    }) : () -> ()
    %dma_start3A = arith.constant 0 : i32
    %dma_start3A_3 = arith.constant 0 : i32
    %dma_start3A_4 = tpu.memref_slice %arg6[%dma_start3A, %dma_start3A_3] : memref<320x128xf32, #tpu.memory_space<vmem>> -> memref<128x128xf32, #tpu.memory_space<vmem>>
    %dma_start3A_5 = arith.constant 0 : i32
    %dma_start3A_6 = tpu.memref_slice %arg5[%dma_start3A_5] : memref<320xi32, #tpu.memory_space<vmem>> -> memref<128xi32, #tpu.memory_space<vmem>>
    %dma_start3A_7 = arith.constant 0 : i32
    %dma_start3A_8 = arith.constant 0 : i32
    %dma_start3A_9 = tpu.memref_slice %arg2[%dma_start3A_7, %dma_start3A_8] : memref<50000x128xf32, #tpu.memory_space<hbm>> -> memref<50000x128xf32, #tpu.memory_space<hbm>>
    tpu.enqueue_indirect_dma source(%dma_start3A_9 : memref<50000x128xf32, #tpu.memory_space<hbm>>) target(%dma_start3A_4 : memref<128x128xf32, #tpu.memory_space<vmem>>) offsets(%dma_start3A_6 : memref<128xi32, #tpu.memory_space<vmem>>) semaphore(%arg7 : memref<!tpu.dma_semaphore, #tpu.memory_space<semaphore_mem>>)
    %dma_wait3A = arith.constant 0 : i32
    %dma_wait3A_10 = arith.constant 0 : i32
    %dma_wait3A_11 = tpu.memref_slice %arg6[%dma_wait3A, %dma_wait3A_10] : memref<320x128xf32, #tpu.memory_space<vmem>> -> memref<128x128xf32, #tpu.memory_space<vmem>>
    %dma_wait3A_12 = arith.constant 0 : i32
    %dma_wait3A_13 = tpu.memref_slice %arg5[%dma_wait3A_12] : memref<320xi32, #tpu.memory_space<vmem>> -> memref<128xi32, #tpu.memory_space<vmem>>
    %dma_wait3A_14 = arith.constant 0 : i32
    %dma_wait3A_15 = arith.constant 0 : i32
    %dma_wait3A_16 = tpu.memref_slice %arg2[%dma_wait3A_14, %dma_wait3A_15] : memref<50000x128xf32, #tpu.memory_space<hbm>> -> memref<50000x128xf32, #tpu.memory_space<hbm>>
    tpu.wait_indirect_dma semaphore(%arg7 : memref<!tpu.dma_semaphore, #tpu.memory_space<semaphore_mem>>) src(%dma_wait3A_16 : memref<50000x128xf32, #tpu.memory_space<hbm>>) dst(%dma_wait3A_11 : memref<128x128xf32, #tpu.memory_space<vmem>>)
    %dma_start3A_17 = arith.constant 128 : i32
    %dma_start3A_18 = arith.constant 0 : i32
    %dma_start3A_19 = tpu.memref_slice %arg6[%dma_start3A_17, %dma_start3A_18] : memref<320x128xf32, #tpu.memory_space<vmem>> -> memref<128x128xf32, #tpu.memory_space<vmem>>
    %dma_start3A_20 = arith.constant 128 : i32
    %dma_start3A_21 = tpu.memref_slice %arg5[%dma_start3A_20] : memref<320xi32, #tpu.memory_space<vmem>> -> memref<128xi32, #tpu.memory_space<vmem>>
    %dma_start3A_22 = arith.constant 0 : i32
    %dma_start3A_23 = arith.constant 0 : i32
    %dma_start3A_24 = tpu.memref_slice %arg2[%dma_start3A_22, %dma_start3A_23] : memref<50000x128xf32, #tpu.memory_space<hbm>> -> memref<50000x128xf32, #tpu.memory_space<hbm>>
    tpu.enqueue_indirect_dma source(%dma_start3A_24 : memref<50000x128xf32, #tpu.memory_space<hbm>>) target(%dma_start3A_19 : memref<128x128xf32, #tpu.memory_space<vmem>>) offsets(%dma_start3A_21 : memref<128xi32, #tpu.memory_space<vmem>>) semaphore(%arg7 : memref<!tpu.dma_semaphore, #tpu.memory_space<semaphore_mem>>)
    %dma_wait3A_25 = arith.constant 128 : i32
    %dma_wait3A_26 = arith.constant 0 : i32
    %dma_wait3A_27 = tpu.memref_slice %arg6[%dma_wait3A_25, %dma_wait3A_26] : memref<320x128xf32, #tpu.memory_space<vmem>> -> memref<128x128xf32, #tpu.memory_space<vmem>>
    %dma_wait3A_28 = arith.constant 128 : i32
    %dma_wait3A_29 = tpu.memref_slice %arg5[%dma_wait3A_28] : memref<320xi32, #tpu.memory_space<vmem>> -> memref<128xi32, #tpu.memory_space<vmem>>
    %dma_wait3A_30 = arith.constant 0 : i32
    %dma_wait3A_31 = arith.constant 0 : i32
    %dma_wait3A_32 = tpu.memref_slice %arg2[%dma_wait3A_30, %dma_wait3A_31] : memref<50000x128xf32, #tpu.memory_space<hbm>> -> memref<50000x128xf32, #tpu.memory_space<hbm>>
    tpu.wait_indirect_dma semaphore(%arg7 : memref<!tpu.dma_semaphore, #tpu.memory_space<semaphore_mem>>) src(%dma_wait3A_32 : memref<50000x128xf32, #tpu.memory_space<hbm>>) dst(%dma_wait3A_27 : memref<128x128xf32, #tpu.memory_space<vmem>>)
    %dma_start3A_33 = arith.constant 256 : i32
    %dma_start3A_34 = arith.constant 0 : i32
    %dma_start3A_35 = tpu.memref_slice %arg6[%dma_start3A_33, %dma_start3A_34] : memref<320x128xf32, #tpu.memory_space<vmem>> -> memref<64x128xf32, #tpu.memory_space<vmem>>
    %dma_start3A_36 = arith.constant 256 : i32
    %dma_start3A_37 = tpu.memref_slice %arg5[%dma_start3A_36] : memref<320xi32, #tpu.memory_space<vmem>> -> memref<64xi32, #tpu.memory_space<vmem>>
    %dma_start3A_38 = arith.constant 0 : i32
    %dma_start3A_39 = arith.constant 0 : i32
    %dma_start3A_40 = tpu.memref_slice %arg2[%dma_start3A_38, %dma_start3A_39] : memref<50000x128xf32, #tpu.memory_space<hbm>> -> memref<50000x128xf32, #tpu.memory_space<hbm>>
    tpu.enqueue_indirect_dma source(%dma_start3A_40 : memref<50000x128xf32, #tpu.memory_space<hbm>>) target(%dma_start3A_35 : memref<64x128xf32, #tpu.memory_space<vmem>>) offsets(%dma_start3A_37 : memref<64xi32, #tpu.memory_space<vmem>>) semaphore(%arg7 : memref<!tpu.dma_semaphore, #tpu.memory_space<semaphore_mem>>)
    %dma_wait3A_41 = arith.constant 256 : i32
    %dma_wait3A_42 = arith.constant 0 : i32
    %dma_wait3A_43 = tpu.memref_slice %arg6[%dma_wait3A_41, %dma_wait3A_42] : memref<320x128xf32, #tpu.memory_space<vmem>> -> memref<64x128xf32, #tpu.memory_space<vmem>>
    %dma_wait3A_44 = arith.constant 256 : i32
    %dma_wait3A_45 = tpu.memref_slice %arg5[%dma_wait3A_44] : memref<320xi32, #tpu.memory_space<vmem>> -> memref<64xi32, #tpu.memory_space<vmem>>
    %dma_wait3A_46 = arith.constant 0 : i32
    %dma_wait3A_47 = arith.constant 0 : i32
    %dma_wait3A_48 = tpu.memref_slice %arg2[%dma_wait3A_46, %dma_wait3A_47] : memref<50000x128xf32, #tpu.memory_space<hbm>> -> memref<50000x128xf32, #tpu.memory_space<hbm>>
    tpu.wait_indirect_dma semaphore(%arg7 : memref<!tpu.dma_semaphore, #tpu.memory_space<semaphore_mem>>) src(%dma_wait3A_48 : memref<50000x128xf32, #tpu.memory_space<hbm>>) dst(%dma_wait3A_43 : memref<64x128xf32, #tpu.memory_space<vmem>>)
    "tpu.region"() ({
      %run_scoped3A = tpu.sem_alloc : memref<!tpu.dma_semaphore, #tpu.memory_space<semaphore_mem>>
      %dma_start3A_49 = arith.constant 0 : i32
      %dma_start3A_50 = tpu.memref_slice %arg4[%mul3A_2, %dma_start3A_49] : memref<10240x128xf32, #tpu.memory_space<hbm>> -> memref<320x128xf32, #tpu.memory_space<hbm>>
      %dma_start3A_51 = arith.constant 0 : i32
      %dma_start3A_52 = tpu.memref_slice %arg4[%mul3A_2, %dma_start3A_51] : memref<10240x128xf32, #tpu.memory_space<hbm>> -> memref<320x128xf32, #tpu.memory_space<hbm>>
      tpu.enqueue_dma source(%arg6 : memref<320x128xf32, #tpu.memory_space<vmem>>) target(%dma_start3A_52 : memref<320x128xf32, #tpu.memory_space<hbm>>) target_semaphore(%run_scoped3A : memref<!tpu.dma_semaphore, #tpu.memory_space<semaphore_mem>>)
      %dma_wait3A_53 = arith.constant 0 : i32
      %dma_wait3A_54 = tpu.memref_slice %arg4[%mul3A_2, %dma_wait3A_53] : memref<10240x128xf32, #tpu.memory_space<hbm>> -> memref<320x128xf32, #tpu.memory_space<hbm>>
      %dma_wait3A_55 = arith.constant 0 : i32
      %dma_wait3A_56 = tpu.memref_slice %arg4[%mul3A_2, %dma_wait3A_55] : memref<10240x128xf32, #tpu.memory_space<hbm>> -> memref<320x128xf32, #tpu.memory_space<hbm>>
      tpu.wait_dma2 semaphore(%run_scoped3A : memref<!tpu.dma_semaphore, #tpu.memory_space<semaphore_mem>>) src(%arg6 : memref<320x128xf32, #tpu.memory_space<vmem>>) dst(%dma_wait3A_56 : memref<320x128xf32, #tpu.memory_space<hbm>>)
      tpu.yield
    }) : () -> ()
    return
  }
}

#map = affine_map<(d0, d1) -> (0, 0)>
#map1 = affine_map<(d0, d1) -> (0)>
module attributes {stable_mosaic.version = 14 : i64} {
  func.func @gk(%arg0: i32, %arg1: i32, %arg2: memref<100000x256xf32, #tpu.memory_space<hbm>>, %arg3: memref<5120xi32, #tpu.memory_space<hbm>>, %arg4: memref<5120x256xf32, #tpu.memory_space<hbm>>, %arg5: memref<160xi32, #tpu.memory_space<vmem>>, %arg6: memref<160x256xf32, #tpu.memory_space<vmem>>, %arg7: memref<!tpu.dma_semaphore, #tpu.memory_space<semaphore_mem>>) attributes {dimension_semantics = [#tpu.dimension_semantics<core_parallel>, #tpu.dimension_semantics<subcore_parallel>], iteration_bounds = array<i64: 2, 16>, scalar_prefetch = 0 : i64, scratch_operands = 3 : i64, tpu.core_type = #tpu.core_type<sc_vector_subcore>, window_params = [{transform_indices = #map}, {transform_indices = #map1}, {transform_indices = #map}]} {
    %mul3A = arith.constant 2 : i32
    %mul3A_0 = arith.muli %arg1, %mul3A : i32
    %add3A = arith.addi %mul3A_0, %arg0 : i32
    %mul3A_1 = arith.constant 160 : i32
    %mul3A_2 = arith.muli %add3A, %mul3A_1 : i32
    "tpu.region"() ({
      %run_scoped3A = tpu.sem_alloc : memref<!tpu.dma_semaphore, #tpu.memory_space<semaphore_mem>>
      %dma_start3A_33 = tpu.memref_slice %arg3[%mul3A_2] : memref<5120xi32, #tpu.memory_space<hbm>> -> memref<160xi32, #tpu.memory_space<hbm>>
      %dma_start3A_34 = tpu.memref_slice %arg3[%mul3A_2] : memref<5120xi32, #tpu.memory_space<hbm>> -> memref<160xi32, #tpu.memory_space<hbm>>
      tpu.enqueue_dma source(%dma_start3A_34 : memref<160xi32, #tpu.memory_space<hbm>>) target(%arg5 : memref<160xi32, #tpu.memory_space<vmem>>) target_semaphore(%run_scoped3A : memref<!tpu.dma_semaphore, #tpu.memory_space<semaphore_mem>>)
      %dma_wait3A_35 = tpu.memref_slice %arg3[%mul3A_2] : memref<5120xi32, #tpu.memory_space<hbm>> -> memref<160xi32, #tpu.memory_space<hbm>>
      %dma_wait3A_36 = tpu.memref_slice %arg3[%mul3A_2] : memref<5120xi32, #tpu.memory_space<hbm>> -> memref<160xi32, #tpu.memory_space<hbm>>
      tpu.wait_dma2 semaphore(%run_scoped3A : memref<!tpu.dma_semaphore, #tpu.memory_space<semaphore_mem>>) src(%dma_wait3A_36 : memref<160xi32, #tpu.memory_space<hbm>>) dst(%arg5 : memref<160xi32, #tpu.memory_space<vmem>>)
      tpu.yield
    }) : () -> ()
    %dma_start3A = arith.constant 0 : i32
    %dma_start3A_3 = arith.constant 0 : i32
    %dma_start3A_4 = tpu.memref_slice %arg6[%dma_start3A, %dma_start3A_3] : memref<160x256xf32, #tpu.memory_space<vmem>> -> memref<128x256xf32, #tpu.memory_space<vmem>>
    %dma_start3A_5 = arith.constant 0 : i32
    %dma_start3A_6 = tpu.memref_slice %arg5[%dma_start3A_5] : memref<160xi32, #tpu.memory_space<vmem>> -> memref<128xi32, #tpu.memory_space<vmem>>
    %dma_start3A_7 = arith.constant 0 : i32
    %dma_start3A_8 = arith.constant 0 : i32
    %dma_start3A_9 = tpu.memref_slice %arg2[%dma_start3A_7, %dma_start3A_8] : memref<100000x256xf32, #tpu.memory_space<hbm>> -> memref<100000x256xf32, #tpu.memory_space<hbm>>
    tpu.enqueue_indirect_dma source(%dma_start3A_9 : memref<100000x256xf32, #tpu.memory_space<hbm>>) target(%dma_start3A_4 : memref<128x256xf32, #tpu.memory_space<vmem>>) offsets(%dma_start3A_6 : memref<128xi32, #tpu.memory_space<vmem>>) semaphore(%arg7 : memref<!tpu.dma_semaphore, #tpu.memory_space<semaphore_mem>>)
    %dma_wait3A = arith.constant 0 : i32
    %dma_wait3A_10 = arith.constant 0 : i32
    %dma_wait3A_11 = tpu.memref_slice %arg6[%dma_wait3A, %dma_wait3A_10] : memref<160x256xf32, #tpu.memory_space<vmem>> -> memref<128x256xf32, #tpu.memory_space<vmem>>
    %dma_wait3A_12 = arith.constant 0 : i32
    %dma_wait3A_13 = tpu.memref_slice %arg5[%dma_wait3A_12] : memref<160xi32, #tpu.memory_space<vmem>> -> memref<128xi32, #tpu.memory_space<vmem>>
    %dma_wait3A_14 = arith.constant 0 : i32
    %dma_wait3A_15 = arith.constant 0 : i32
    %dma_wait3A_16 = tpu.memref_slice %arg2[%dma_wait3A_14, %dma_wait3A_15] : memref<100000x256xf32, #tpu.memory_space<hbm>> -> memref<100000x256xf32, #tpu.memory_space<hbm>>
    tpu.wait_indirect_dma semaphore(%arg7 : memref<!tpu.dma_semaphore, #tpu.memory_space<semaphore_mem>>) src(%dma_wait3A_16 : memref<100000x256xf32, #tpu.memory_space<hbm>>) dst(%dma_wait3A_11 : memref<128x256xf32, #tpu.memory_space<vmem>>)
    %dma_start3A_17 = arith.constant 128 : i32
    %dma_start3A_18 = arith.constant 0 : i32
    %dma_start3A_19 = tpu.memref_slice %arg6[%dma_start3A_17, %dma_start3A_18] : memref<160x256xf32, #tpu.memory_space<vmem>> -> memref<32x256xf32, #tpu.memory_space<vmem>>
    %dma_start3A_20 = arith.constant 128 : i32
    %dma_start3A_21 = tpu.memref_slice %arg5[%dma_start3A_20] : memref<160xi32, #tpu.memory_space<vmem>> -> memref<32xi32, #tpu.memory_space<vmem>>
    %dma_start3A_22 = arith.constant 0 : i32
    %dma_start3A_23 = arith.constant 0 : i32
    %dma_start3A_24 = tpu.memref_slice %arg2[%dma_start3A_22, %dma_start3A_23] : memref<100000x256xf32, #tpu.memory_space<hbm>> -> memref<100000x256xf32, #tpu.memory_space<hbm>>
    tpu.enqueue_indirect_dma source(%dma_start3A_24 : memref<100000x256xf32, #tpu.memory_space<hbm>>) target(%dma_start3A_19 : memref<32x256xf32, #tpu.memory_space<vmem>>) offsets(%dma_start3A_21 : memref<32xi32, #tpu.memory_space<vmem>>) semaphore(%arg7 : memref<!tpu.dma_semaphore, #tpu.memory_space<semaphore_mem>>)
    %dma_wait3A_25 = arith.constant 128 : i32
    %dma_wait3A_26 = arith.constant 0 : i32
    %dma_wait3A_27 = tpu.memref_slice %arg6[%dma_wait3A_25, %dma_wait3A_26] : memref<160x256xf32, #tpu.memory_space<vmem>> -> memref<32x256xf32, #tpu.memory_space<vmem>>
    %dma_wait3A_28 = arith.constant 128 : i32
    %dma_wait3A_29 = tpu.memref_slice %arg5[%dma_wait3A_28] : memref<160xi32, #tpu.memory_space<vmem>> -> memref<32xi32, #tpu.memory_space<vmem>>
    %dma_wait3A_30 = arith.constant 0 : i32
    %dma_wait3A_31 = arith.constant 0 : i32
    %dma_wait3A_32 = tpu.memref_slice %arg2[%dma_wait3A_30, %dma_wait3A_31] : memref<100000x256xf32, #tpu.memory_space<hbm>> -> memref<100000x256xf32, #tpu.memory_space<hbm>>
    tpu.wait_indirect_dma semaphore(%arg7 : memref<!tpu.dma_semaphore, #tpu.memory_space<semaphore_mem>>) src(%dma_wait3A_32 : memref<100000x256xf32, #tpu.memory_space<hbm>>) dst(%dma_wait3A_27 : memref<32x256xf32, #tpu.memory_space<vmem>>)
    "tpu.region"() ({
      %run_scoped3A = tpu.sem_alloc : memref<!tpu.dma_semaphore, #tpu.memory_space<semaphore_mem>>
      %dma_start3A_33 = arith.constant 0 : i32
      %dma_start3A_34 = tpu.memref_slice %arg4[%mul3A_2, %dma_start3A_33] : memref<5120x256xf32, #tpu.memory_space<hbm>> -> memref<160x256xf32, #tpu.memory_space<hbm>>
      %dma_start3A_35 = arith.constant 0 : i32
      %dma_start3A_36 = tpu.memref_slice %arg4[%mul3A_2, %dma_start3A_35] : memref<5120x256xf32, #tpu.memory_space<hbm>> -> memref<160x256xf32, #tpu.memory_space<hbm>>
      tpu.enqueue_dma source(%arg6 : memref<160x256xf32, #tpu.memory_space<vmem>>) target(%dma_start3A_36 : memref<160x256xf32, #tpu.memory_space<hbm>>) target_semaphore(%run_scoped3A : memref<!tpu.dma_semaphore, #tpu.memory_space<semaphore_mem>>)
      %dma_wait3A_37 = arith.constant 0 : i32
      %dma_wait3A_38 = tpu.memref_slice %arg4[%mul3A_2, %dma_wait3A_37] : memref<5120x256xf32, #tpu.memory_space<hbm>> -> memref<160x256xf32, #tpu.memory_space<hbm>>
      %dma_wait3A_39 = arith.constant 0 : i32
      %dma_wait3A_40 = tpu.memref_slice %arg4[%mul3A_2, %dma_wait3A_39] : memref<5120x256xf32, #tpu.memory_space<hbm>> -> memref<160x256xf32, #tpu.memory_space<hbm>>
      tpu.wait_dma2 semaphore(%run_scoped3A : memref<!tpu.dma_semaphore, #tpu.memory_space<semaphore_mem>>) src(%arg6 : memref<160x256xf32, #tpu.memory_space<vmem>>) dst(%dma_wait3A_40 : memref<160x256xf32, #tpu.memory_space<hbm>>)
      tpu.yield
    }) : () -> ()
    return
  }
}

module attributes {stable_mosaic.version = 14 : i64} {
  func.func @_router_body(%arg0: i32, %arg1: memref<512x256xf32, #tpu.memory_space<vmem>>, %arg2: memref<256x2048xf32, #tpu.memory_space<vmem>>, %arg3: memref<512x2048xf32, #tpu.memory_space<vmem>>, %arg4: memref<512x24xi32, #tpu.memory_space<vmem>>, %arg5: memref<512x896xf32, #tpu.memory_space<vmem>>, %arg6: memref<512x128xf32, #tpu.memory_space<vmem>>) attributes {dimension_semantics = [#tpu.dimension_semantics<arbitrary>], iteration_bounds = array<i64: 49>, scalar_prefetch = 0 : i64, scratch_operands = 2 : i64, tpu.core_type = #tpu.core_type<tc>, window_params = [{pipeline_mode = #tpu.pipeline_mode<synchronous>, transform_indices = @transform_0, window_bounds = array<i64: 512, 256>}, {transform_indices = @transform_1, window_bounds = array<i64: 256, 2048>}, {transform_indices = @transform_2, window_bounds = array<i64: 512, 2048>}, {pipeline_mode = #tpu.pipeline_mode<synchronous>, transform_indices = @transform_3, window_bounds = array<i64: 512, 24>}]} {
    %get3A = arith.constant 0 : index
    %get3A_0 = arith.constant 0 : index
    %get3A_1 = vector.load %arg1[%get3A, %get3A_0] : memref<512x256xf32, #tpu.memory_space<vmem>>, vector<512x256xf32>
    %get3A_2 = arith.constant 0 : index
    %get3A_3 = arith.constant 0 : index
    %get3A_4 = vector.load %arg2[%get3A_2, %get3A_3] : memref<256x2048xf32, #tpu.memory_space<vmem>>, vector<256x2048xf32>
    %dot_general3A = arith.constant dense<0.000000e+00> : vector<512x2048xf32>
    %dot_general3A_5 = tpu.matmul %get3A_1, %get3A_4, %dot_general3A {dimension_numbers = #tpu.dot_dimension_numbers<[1], [0], [0], [1], [0, 0, 1, 1], [], []>, transpose_lhs_hint = false} : vector<512x256xf32>, vector<256x2048xf32>, vector<512x2048xf32> -> vector<512x2048xf32>
    %swap3A = arith.constant 0 : index
    %swap3A_6 = arith.constant 0 : index
    %swap3A_7 = vector.load %arg3[%swap3A, %swap3A_6] : memref<512x2048xf32, #tpu.memory_space<vmem>>, vector<512x2048xf32>
    tpu.vector_store %arg3[%swap3A, %swap3A_6], %dot_general3A_5 {strides = array<i32>} : memref<512x2048xf32, #tpu.memory_space<vmem>>, vector<512x2048xf32>,
    %mul3A = arith.constant 2048 : i32
    %mul3A_8 = arith.muli %arg0, %mul3A : i32
    %iota3A = tpu.iota {dimensions = array<i32: 1>} : vector<1x2048xi32>
    %add3A = vector.broadcast %mul3A_8 : i32 to vector<1x2048xi32>
    %add3A_9 = arith.addi %add3A, %iota3A : vector<1x2048xi32>
    %lt3A = arith.constant 100000 : i32
    %lt3A_10 = vector.broadcast %lt3A : i32 to vector<1x2048xi32>
    %lt3A_11 = arith.cmpi slt, %add3A_9, %lt3A_10 : vector<1x2048xi32>
    %jit3A = arith.constant 0xFF800000 : f32
    %broadcast_in_dim3A = vector.shape_cast %lt3A_11 : vector<1x2048xi1> to vector<1x2048xi1>
    %broadcast_in_dim3A_12 = vector.broadcast %broadcast_in_dim3A : vector<1x2048xi1> to vector<512x2048xi1>
    %broadcast_in_dim3A_13 = vector.broadcast %jit3A : f32 to vector<512x2048xf32>
    %select_n3A = arith.select %broadcast_in_dim3A_12, %dot_general3A_5, %broadcast_in_dim3A_13 : vector<512x2048xi1>, vector<512x2048xf32>
    %slice3A = vector.extract_strided_slice %select_n3A {offsets = [0, 0], sizes = [512, 128], strides = [1, 1]} : vector<512x2048xf32> to vector<512x128xf32>
    %reduce_max3A = arith.constant dense<0xFF800000> : vector<512xf32>
    %reduce_max3A_14 = vector.multi_reduction <maximumf>, %slice3A, %reduce_max3A [1] : vector<512x128xf32> to vector<512xf32>
    %broadcast_in_dim3A_15 = vector.shape_cast %reduce_max3A_14 : vector<512xf32> to vector<512x1xf32>
    %slice3A_16 = vector.extract_strided_slice %select_n3A {offsets = [0, 128], sizes = [512, 128], strides = [1, 1]} : vector<512x2048xf32> to vector<512x128xf32>
    %reduce_max3A_17 = arith.constant dense<0xFF800000> : vector<512xf32>
    %reduce_max3A_18 = vector.multi_reduction <maximumf>, %slice3A_16, %reduce_max3A_17 [1] : vector<512x128xf32> to vector<512xf32>
    %broadcast_in_dim3A_19 = vector.shape_cast %reduce_max3A_18 : vector<512xf32> to vector<512x1xf32>
    %slice3A_20 = vector.extract_strided_slice %select_n3A {offsets = [0, 256], sizes = [512, 128], strides = [1, 1]} : vector<512x2048xf32> to vector<512x128xf32>
    %reduce_max3A_21 = arith.constant dense<0xFF800000> : vector<512xf32>
    %reduce_max3A_22 = vector.multi_reduction <maximumf>, %slice3A_20, %reduce_max3A_21 [1] : vector<512x128xf32> to vector<512xf32>
    %broadcast_in_dim3A_23 = vector.shape_cast %reduce_max3A_22 : vector<512xf32> to vector<512x1xf32>
    %slice3A_24 = vector.extract_strided_slice %select_n3A {offsets = [0, 384], sizes = [512, 128], strides = [1, 1]} : vector<512x2048xf32> to vector<512x128xf32>
    %reduce_max3A_25 = arith.constant dense<0xFF800000> : vector<512xf32>
    %reduce_max3A_26 = vector.multi_reduction <maximumf>, %slice3A_24, %reduce_max3A_25 [1] : vector<512x128xf32> to vector<512xf32>
    %broadcast_in_dim3A_27 = vector.shape_cast %reduce_max3A_26 : vector<512xf32> to vector<512x1xf32>
    %slice3A_28 = vector.extract_strided_slice %select_n3A {offsets = [0, 512], sizes = [512, 128], strides = [1, 1]} : vector<512x2048xf32> to vector<512x128xf32>
    %reduce_max3A_29 = arith.constant dense<0xFF800000> : vector<512xf32>
    %reduce_max3A_30 = vector.multi_reduction <maximumf>, %slice3A_28, %reduce_max3A_29 [1] : vector<512x128xf32> to vector<512xf32>
    %broadcast_in_dim3A_31 = vector.shape_cast %reduce_max3A_30 : vector<512xf32> to vector<512x1xf32>
    %slice3A_32 = vector.extract_strided_slice %select_n3A {offsets = [0, 640], sizes = [512, 128], strides = [1, 1]} : vector<512x2048xf32> to vector<512x128xf32>
    %reduce_max3A_33 = arith.constant dense<0xFF800000> : vector<512xf32>
    %reduce_max3A_34 = vector.multi_reduction <maximumf>, %slice3A_32, %reduce_max3A_33 [1] : vector<512x128xf32> to vector<512xf32>
    %broadcast_in_dim3A_35 = vector.shape_cast %reduce_max3A_34 : vector<512xf32> to vector<512x1xf32>
    %slice3A_36 = vector.extract_strided_slice %select_n3A {offsets = [0, 768], sizes = [512, 128], strides = [1, 1]} : vector<512x2048xf32> to vector<512x128xf32>
    %reduce_max3A_37 = arith.constant dense<0xFF800000> : vector<512xf32>
    %reduce_max3A_38 = vector.multi_reduction <maximumf>, %slice3A_36, %reduce_max3A_37 [1] : vector<512x128xf32> to vector<512xf32>
    %broadcast_in_dim3A_39 = vector.shape_cast %reduce_max3A_38 : vector<512xf32> to vector<512x1xf32>
    %slice3A_40 = vector.extract_strided_slice %select_n3A {offsets = [0, 896], sizes = [512, 128], strides = [1, 1]} : vector<512x2048xf32> to vector<512x128xf32>
    %reduce_max3A_41 = arith.constant dense<0xFF800000> : vector<512xf32>
    %reduce_max3A_42 = vector.multi_reduction <maximumf>, %slice3A_40, %reduce_max3A_41 [1] : vector<512x128xf32> to vector<512xf32>
    %broadcast_in_dim3A_43 = vector.shape_cast %reduce_max3A_42 : vector<512xf32> to vector<512x1xf32>
    %slice3A_44 = vector.extract_strided_slice %select_n3A {offsets = [0, 1024], sizes = [512, 128], strides = [1, 1]} : vector<512x2048xf32> to vector<512x128xf32>
    %reduce_max3A_45 = arith.constant dense<0xFF800000> : vector<512xf32>
    %reduce_max3A_46 = vector.multi_reduction <maximumf>, %slice3A_44, %reduce_max3A_45 [1] : vector<512x128xf32> to vector<512xf32>
    %broadcast_in_dim3A_47 = vector.shape_cast %reduce_max3A_46 : vector<512xf32> to vector<512x1xf32>
    %slice3A_48 = vector.extract_strided_slice %select_n3A {offsets = [0, 1152], sizes = [512, 128], strides = [1, 1]} : vector<512x2048xf32> to vector<512x128xf32>
    %reduce_max3A_49 = arith.constant dense<0xFF800000> : vector<512xf32>
    %reduce_max3A_50 = vector.multi_reduction <maximumf>, %slice3A_48, %reduce_max3A_49 [1] : vector<512x128xf32> to vector<512xf32>
    %broadcast_in_dim3A_51 = vector.shape_cast %reduce_max3A_50 : vector<512xf32> to vector<512x1xf32>
    %slice3A_52 = vector.extract_strided_slice %select_n3A {offsets = [0, 1280], sizes = [512, 128], strides = [1, 1]} : vector<512x2048xf32> to vector<512x128xf32>
    %reduce_max3A_53 = arith.constant dense<0xFF800000> : vector<512xf32>
    %reduce_max3A_54 = vector.multi_reduction <maximumf>, %slice3A_52, %reduce_max3A_53 [1] : vector<512x128xf32> to vector<512xf32>
    %broadcast_in_dim3A_55 = vector.shape_cast %reduce_max3A_54 : vector<512xf32> to vector<512x1xf32>
    %slice3A_56 = vector.extract_strided_slice %select_n3A {offsets = [0, 1408], sizes = [512, 128], strides = [1, 1]} : vector<512x2048xf32> to vector<512x128xf32>
    %reduce_max3A_57 = arith.constant dense<0xFF800000> : vector<512xf32>
    %reduce_max3A_58 = vector.multi_reduction <maximumf>, %slice3A_56, %reduce_max3A_57 [1] : vector<512x128xf32> to vector<512xf32>
    %broadcast_in_dim3A_59 = vector.shape_cast %reduce_max3A_58 : vector<512xf32> to vector<512x1xf32>
    %slice3A_60 = vector.extract_strided_slice %select_n3A {offsets = [0, 1536], sizes = [512, 128], strides = [1, 1]} : vector<512x2048xf32> to vector<512x128xf32>
    %reduce_max3A_61 = arith.constant dense<0xFF800000> : vector<512xf32>
    %reduce_max3A_62 = vector.multi_reduction <maximumf>, %slice3A_60, %reduce_max3A_61 [1] : vector<512x128xf32> to vector<512xf32>
    %broadcast_in_dim3A_63 = vector.shape_cast %reduce_max3A_62 : vector<512xf32> to vector<512x1xf32>
    %slice3A_64 = vector.extract_strided_slice %select_n3A {offsets = [0, 1664], sizes = [512, 128], strides = [1, 1]} : vector<512x2048xf32> to vector<512x128xf32>
    %reduce_max3A_65 = arith.constant dense<0xFF800000> : vector<512xf32>
    %reduce_max3A_66 = vector.multi_reduction <maximumf>, %slice3A_64, %reduce_max3A_65 [1] : vector<512x128xf32> to vector<512xf32>
    %broadcast_in_dim3A_67 = vector.shape_cast %reduce_max3A_66 : vector<512xf32> to vector<512x1xf32>
    %slice3A_68 = vector.extract_strided_slice %select_n3A {offsets = [0, 1792], sizes = [512, 128], strides = [1, 1]} : vector<512x2048xf32> to vector<512x128xf32>
    %reduce_max3A_69 = arith.constant dense<0xFF800000> : vector<512xf32>
    %reduce_max3A_70 = vector.multi_reduction <maximumf>, %slice3A_68, %reduce_max3A_69 [1] : vector<512x128xf32> to vector<512xf32>
    %broadcast_in_dim3A_71 = vector.shape_cast %reduce_max3A_70 : vector<512xf32> to vector<512x1xf32>
    %slice3A_72 = vector.extract_strided_slice %select_n3A {offsets = [0, 1920], sizes = [512, 128], strides = [1, 1]} : vector<512x2048xf32> to vector<512x128xf32>
    %reduce_max3A_73 = arith.constant dense<0xFF800000> : vector<512xf32>
    %reduce_max3A_74 = vector.multi_reduction <maximumf>, %slice3A_72, %reduce_max3A_73 [1] : vector<512x128xf32> to vector<512xf32>
    %broadcast_in_dim3A_75 = vector.shape_cast %reduce_max3A_74 : vector<512xf32> to vector<512x1xf32>
    %concatenate3A = tpu.concatenate %broadcast_in_dim3A_15, %broadcast_in_dim3A_19, %broadcast_in_dim3A_23, %broadcast_in_dim3A_27, %broadcast_in_dim3A_31, %broadcast_in_dim3A_35, %broadcast_in_dim3A_39, %broadcast_in_dim3A_43, %broadcast_in_dim3A_47, %broadcast_in_dim3A_51, %broadcast_in_dim3A_55, %broadcast_in_dim3A_59, %broadcast_in_dim3A_63, %broadcast_in_dim3A_67, %broadcast_in_dim3A_71, %broadcast_in_dim3A_75 in 1 : vector<512x1xf32>, vector<512x1xf32>, vector<512x1xf32>, vector<512x1xf32>, vector<512x1xf32>, vector<512x1xf32>, vector<512x1xf32>, vector<512x1xf32>, vector<512x1xf32>, vector<512x1xf32>, vector<512x1xf32>, vector<512x1xf32>, vector<512x1xf32>, vector<512x1xf32>, vector<512x1xf32>, vector<512x1xf32> -> vector<512x16xf32>
    %iota3A_76 = tpu.iota {dimensions = array<i32: 1>} : vector<512x128xi32>
    %concatenate3A_77 = tpu.concatenate %concatenate3A, %concatenate3A, %concatenate3A, %concatenate3A, %concatenate3A, %concatenate3A, %concatenate3A, %concatenate3A in 1 : vector<512x16xf32>, vector<512x16xf32>, vector<512x16xf32>, vector<512x16xf32>, vector<512x16xf32>, vector<512x16xf32>, vector<512x16xf32>, vector<512x16xf32> -> vector<512x128xf32>
    %jit3A_78 = arith.constant 16 : i32
    %div3A = vector.broadcast %jit3A_78 : i32 to vector<512x128xi32>
    %div3A_79 = arith.divsi %iota3A_76, %div3A : vector<512x128xi32>
    %sign3A = arith.constant 0 : i32
    %sign3A_80 = vector.broadcast %sign3A : i32 to vector<512x128xi32>
    %sign3A_81 = arith.cmpi sgt, %iota3A_76, %sign3A_80 : vector<512x128xi32>
    %sign3A_82 = arith.extui %sign3A_81 : vector<512x128xi1> to vector<512x128xi32>
    %sign3A_83 = arith.constant 0 : i32
    %sign3A_84 = vector.broadcast %sign3A_83 : i32 to vector<512x128xi32>
    %sign3A_85 = arith.cmpi slt, %iota3A_76, %sign3A_84 : vector<512x128xi32>
    %sign3A_86 = arith.extui %sign3A_85 : vector<512x128xi1> to vector<512x128xi32>
    %sign3A_87 = arith.subi %sign3A_82, %sign3A_86 : vector<512x128xi32>
    %sign3A_88 = arith.constant 0 : i32
    %sign3A_89 = arith.cmpi sgt, %jit3A_78, %sign3A_88 : i32
    %sign3A_90 = arith.extui %sign3A_89 : i1 to i32
    %sign3A_91 = arith.constant 0 : i32
    %sign3A_92 = arith.cmpi slt, %jit3A_78, %sign3A_91 : i32
    %sign3A_93 = arith.extui %sign3A_92 : i1 to i32
    %sign3A_94 = arith.subi %sign3A_90, %sign3A_93 : i32
    %ne3A = vector.broadcast %sign3A_94 : i32 to vector<512x128xi32>
    %ne3A_95 = arith.cmpi ne, %sign3A_87, %ne3A : vector<512x128xi32>
    %rem3A = vector.broadcast %jit3A_78 : i32 to vector<512x128xi32>
    %rem3A_96 = arith.remsi %iota3A_76, %rem3A : vector<512x128xi32>
    %ne3A_97 = arith.constant 0 : i32
    %ne3A_98 = vector.broadcast %ne3A_97 : i32 to vector<512x128xi32>
    %ne3A_99 = arith.cmpi ne, %rem3A_96, %ne3A_98 : vector<512x128xi32>
    %and3A = arith.andi %ne3A_95, %ne3A_99 : vector<512x128xi1>
    %sub3A = arith.constant 1 : i32
    %sub3A_100 = vector.broadcast %sub3A : i32 to vector<512x128xi32>
    %sub3A_101 = arith.subi %div3A_79, %sub3A_100 : vector<512x128xi32>
    %select_n3A_102 = arith.select %and3A, %sub3A_101, %div3A_79 : vector<512x128xi1>, vector<512x128xi32>
    %jit3A_103 = arith.constant 8 : i32
    %eq3A = arith.constant 0 : i32
    %eq3A_104 = arith.cmpi eq, %jit3A_103, %eq3A : i32
    %jit3A_105 = arith.constant 1 : i32
    %select_n3A_106 = arith.select %eq3A_104, %jit3A_105, %jit3A_103 : i32
    %rem3A_107 = arith.remsi %arg0, %select_n3A_106 : i32
    %ne3A_108 = arith.constant 0 : i32
    %ne3A_109 = arith.cmpi ne, %rem3A_107, %ne3A_108 : i32
    %lt3A_110 = arith.constant 0 : i32
    %lt3A_111 = arith.cmpi slt, %rem3A_107, %lt3A_110 : i32
    %lt3A_112 = arith.constant 0 : i32
    %lt3A_113 = arith.cmpi slt, %select_n3A_106, %lt3A_112 : i32
    %ne3A_114 = arith.xori %lt3A_111, %lt3A_113 : i1
    %and3A_115 = arith.andi %ne3A_114, %ne3A_109 : i1
    %add3A_116 = arith.addi %rem3A_107, %select_n3A_106 : i32
    %select_n3A_117 = arith.select %and3A_115, %add3A_116, %rem3A_107 : i32
    %eq3A_118 = vector.broadcast %select_n3A_117 : i32 to vector<512x128xi32>
    %eq3A_119 = arith.cmpi eq, %select_n3A_102, %eq3A_118 : vector<512x128xi32>
    %get3A_120 = arith.constant 0 : index
    %get3A_121 = arith.constant 0 : index
    %get3A_122 = vector.load %arg6[%get3A_120, %get3A_121] : memref<512x128xf32, #tpu.memory_space<vmem>>, vector<512x128xf32>
    %select_n3A_123 = arith.select %eq3A_119, %concatenate3A_77, %get3A_122 : vector<512x128xi1>, vector<512x128xf32>
    %swap3A_124 = arith.constant 0 : index
    %swap3A_125 = arith.constant 0 : index
    %swap3A_126 = vector.load %arg6[%swap3A_124, %swap3A_125] : memref<512x128xf32, #tpu.memory_space<vmem>>, vector<512x128xf32>
    tpu.vector_store %arg6[%swap3A_124, %swap3A_125], %select_n3A_123 {strides = array<i32>} : memref<512x128xf32, #tpu.memory_space<vmem>>, vector<512x128xf32>,
    %get3A_127 = arith.constant 0 : index
    %get3A_128 = arith.constant 0 : index
    %get3A_129 = vector.load %arg6[%get3A_127, %get3A_128] : memref<512x128xf32, #tpu.memory_space<vmem>>, vector<512x128xf32>
    %jit3A_130 = arith.constant 8 : i32
    %div3A_131 = arith.divsi %arg0, %jit3A_130 : i32
    %sign3A_132 = arith.constant 0 : i32
    %sign3A_133 = arith.cmpi sgt, %arg0, %sign3A_132 : i32
    %sign3A_134 = arith.extui %sign3A_133 : i1 to i32
    %sign3A_135 = arith.constant 0 : i32
    %sign3A_136 = arith.cmpi slt, %arg0, %sign3A_135 : i32
    %sign3A_137 = arith.extui %sign3A_136 : i1 to i32
    %sign3A_138 = arith.subi %sign3A_134, %sign3A_137 : i32
    %sign3A_139 = arith.constant 0 : i32
    %sign3A_140 = arith.cmpi sgt, %jit3A_130, %sign3A_139 : i32
    %sign3A_141 = arith.extui %sign3A_140 : i1 to i32
    %sign3A_142 = arith.constant 0 : i32
    %sign3A_143 = arith.cmpi slt, %jit3A_130, %sign3A_142 : i32
    %sign3A_144 = arith.extui %sign3A_143 : i1 to i32
    %sign3A_145 = arith.subi %sign3A_141, %sign3A_144 : i32
    %ne3A_146 = arith.cmpi ne, %sign3A_138, %sign3A_145 : i32
    %rem3A_147 = arith.remsi %arg0, %jit3A_130 : i32
    %ne3A_148 = arith.constant 0 : i32
    %ne3A_149 = arith.cmpi ne, %rem3A_147, %ne3A_148 : i32
    %and3A_150 = arith.andi %ne3A_146, %ne3A_149 : i1
    %sub3A_151 = arith.constant 1 : i32
    %sub3A_152 = arith.subi %div3A_131, %sub3A_151 : i32
    %select_n3A_153 = arith.select %and3A_150, %sub3A_152, %div3A_131 : i32
    %mul3A_154 = arith.constant 128 : i32
    %mul3A_155 = arith.muli %select_n3A_153, %mul3A_154 : i32
    %multiple_of3A = tpu.assume_multiple %mul3A_155, 128 : i32
    %swap3A_156 = arith.constant 0 : index
    %swap3A_157 = arith.index_cast %multiple_of3A : i32 to index
    %swap3A_158 = vector.load %arg5[%swap3A_156, %swap3A_157] : memref<512x896xf32, #tpu.memory_space<vmem>>, vector<512x128xf32>
    tpu.vector_store %arg5[%swap3A_156, %swap3A_157], %get3A_129 {strides = array<i32>} : memref<512x896xf32, #tpu.memory_space<vmem>>, vector<512x128xf32>,
    %eq3A_159 = arith.constant 48 : i32
    %eq3A_160 = arith.cmpi eq, %arg0, %eq3A_159 : i32
    %convert_element_type3A = arith.extui %eq3A_160 : i1 to i32
    %cond3A = arith.constant 0 : i32
    %cond3A_161 = arith.cmpi ne, %convert_element_type3A, %cond3A : i32
    scf.if %cond3A_161 {
      %iota3A_162 = tpu.iota {dimensions = array<i32: 1>} : vector<512x896xi32>
      %iota3A_163 = tpu.iota {dimensions = array<i32: 1>} : vector<512x24xi32>
      %lt3A_164 = arith.constant 784 : i32
      %lt3A_165 = vector.broadcast %lt3A_164 : i32 to vector<512x896xi32>
      %lt3A_166 = arith.cmpi slt, %iota3A_162, %lt3A_165 : vector<512x896xi32>
      %get3A_167 = arith.constant 0 : index
      %get3A_168 = arith.constant 0 : index
      %get3A_169 = vector.load %arg5[%get3A_167, %get3A_168] : memref<512x896xf32, #tpu.memory_space<vmem>>, vector<512x896xf32>
      %jit3A_170 = arith.constant 0xFF800000 : f32
      %broadcast_in_dim3A_171 = vector.broadcast %jit3A_170 : f32 to vector<512x896xf32>
      %select_n3A_172 = arith.select %lt3A_166, %get3A_169, %broadcast_in_dim3A_171 : vector<512x896xi1>, vector<512x896xf32>
      %broadcast_in_dim3A_173 = arith.constant 0 : i32
      %broadcast_in_dim3A_174 = vector.broadcast %broadcast_in_dim3A_173 : i32 to vector<512x24xi32>
      %scan3A = arith.constant 0 : i32
      %scan3A_175 = arith.constant 24 : i32
      %scan3A_176 = arith.addi %scan3A, %scan3A_175 : i32
      %scan3A_177 = arith.constant 1 : i32
      %scan3A_178:2 = scf.for %scan3A_188 = %scan3A to %scan3A_176 step %scan3A_177 iter_args(%scan3A_189 = %select_n3A_172, %scan3A_190 = %broadcast_in_dim3A_174) -> (vector<512x896xf32>, vector<512x24xi32>)  : i32 {
        %reduce_max3A_191 = arith.constant dense<0xFF800000> : vector<512xf32>
        %reduce_max3A_192 = vector.multi_reduction <maximumf>, %scan3A_189, %reduce_max3A_191 [1] : vector<512x896xf32> to vector<512xf32>
        %broadcast_in_dim3A_193 = vector.shape_cast %reduce_max3A_192 : vector<512xf32> to vector<512x1xf32>
        %eq3A_194 = vector.broadcast %broadcast_in_dim3A_193 : vector<512x1xf32> to vector<512x896xf32>
        %eq3A_195 = arith.cmpf oeq, %scan3A_189, %eq3A_194 : vector<512x896xf32>
        %jit3A_196 = arith.constant 2147483647 : i32
        %broadcast_in_dim3A_197 = vector.broadcast %jit3A_196 : i32 to vector<512x896xi32>
        %select_n3A_198 = arith.select %eq3A_195, %iota3A_162, %broadcast_in_dim3A_197 : vector<512x896xi1>, vector<512x896xi32>
        %reduce_min3A = arith.constant dense<2147483647> : vector<512xi32>
        %reduce_min3A_199 = vector.multi_reduction <minsi>, %select_n3A_198, %reduce_min3A [1] : vector<512x896xi32> to vector<512xi32>
        %broadcast_in_dim3A_200 = vector.shape_cast %reduce_min3A_199 : vector<512xi32> to vector<512x1xi32>
        %eq3A_201 = vector.broadcast %scan3A_188 : i32 to vector<512x24xi32>
        %eq3A_202 = arith.cmpi eq, %iota3A_163, %eq3A_201 : vector<512x24xi32>
        %broadcast_in_dim3A_203 = vector.shape_cast %broadcast_in_dim3A_200 : vector<512x1xi32> to vector<512x1xi32>
        %broadcast_in_dim3A_204 = vector.broadcast %broadcast_in_dim3A_203 : vector<512x1xi32> to vector<512x24xi32>
        %select_n3A_205 = arith.select %eq3A_202, %broadcast_in_dim3A_204, %scan3A_190 : vector<512x24xi1>, vector<512x24xi32>
        %eq3A_206 = vector.broadcast %broadcast_in_dim3A_200 : vector<512x1xi32> to vector<512x896xi32>
        %eq3A_207 = arith.cmpi eq, %iota3A_162, %eq3A_206 : vector<512x896xi32>
        %jit3A_208 = arith.constant 0xFF800000 : f32
        %broadcast_in_dim3A_209 = vector.broadcast %jit3A_208 : f32 to vector<512x896xf32>
        %select_n3A_210 = arith.select %eq3A_207, %broadcast_in_dim3A_209, %scan3A_189 : vector<512x896xi1>, vector<512x896xf32>
        scf.yield %select_n3A_210, %select_n3A_205 : vector<512x896xf32>, vector<512x24xi32>
      }
      %scan3A_179 = arith.constant 24 : i32
      %iota3A_180 = tpu.iota {dimensions = array<i32: 0>} : vector<512x24xi32>
      %mul3A_181 = arith.constant 784 : i32
      %mul3A_182 = vector.broadcast %mul3A_181 : i32 to vector<512x24xi32>
      %mul3A_183 = arith.muli %iota3A_180, %mul3A_182 : vector<512x24xi32>
      %add3A_184 = arith.addi %mul3A_183, %scan3A_178#1 : vector<512x24xi32>
      %swap3A_185 = arith.constant 0 : index
      %swap3A_186 = arith.constant 0 : index
      %swap3A_187 = vector.load %arg4[%swap3A_185, %swap3A_186] : memref<512x24xi32, #tpu.memory_space<vmem>>, vector<512x24xi32>
      tpu.vector_store %arg4[%swap3A_185, %swap3A_186], %add3A_184 {strides = array<i32>} : memref<512x24xi32, #tpu.memory_space<vmem>>, vector<512x24xi32>,
    } else {
    }
    return
  }
  func.func @transform_0(%arg0: i32) -> (i32, i32) {
    %c0_i32 = arith.constant 0 : i32
    %c0_i32_0 = arith.constant 0 : i32
    %c0_i32_1 = arith.constant 0 : i32
    return %c0_i32, %c0_i32_0 : i32, i32
  }
  func.func @transform_1(%arg0: i32) -> (i32, i32) {
    %c0_i32 = arith.constant 0 : i32
    %c0_i32_0 = arith.constant 0 : i32
    return %c0_i32, %arg0 : i32, i32
  }
  func.func @transform_2(%arg0: i32) -> (i32, i32) {
    %c0_i32 = arith.constant 0 : i32
    %c0_i32_0 = arith.constant 0 : i32
    return %c0_i32, %arg0 : i32, i32
  }
  func.func @transform_3(%arg0: i32) -> (i32, i32) {
    %c0_i32 = arith.constant 0 : i32
    %c0_i32_0 = arith.constant 0 : i32
    %c0_i32_1 = arith.constant 0 : i32
    return %c0_i32, %c0_i32_0 : i32, i32
  }
}

module attributes {stable_mosaic.version = 14 : i64} {
  func.func @_coarse_body(%arg0: i32, %arg1: memref<128x3072xf32, #tpu.memory_space<vmem>>, %arg2: memref<128x24xi32, #tpu.memory_space<vmem>>, %arg3: memref<128x64xf32, #tpu.memory_space<vmem>>, %arg4: memref<64x64xf32, #tpu.memory_space<vmem>>, %arg5: memref<128x20xf32, #tpu.memory_space<vmem>>, %arg6: memref<128x20xi32, #tpu.memory_space<vmem>>, %arg7: memref<128x64xf32, #tpu.memory_space<vmem>>) attributes {dimension_semantics = [#tpu.dimension_semantics<arbitrary>], iteration_bounds = array<i64: 4>, scalar_prefetch = 0 : i64, scratch_operands = 0 : i64, tpu.core_type = #tpu.core_type<tc>, window_params = [{transform_indices = @transform_0, window_bounds = array<i64: 128, 3072>}, {transform_indices = @transform_1, window_bounds = array<i64: 128, 24>}, {transform_indices = @transform_2, window_bounds = array<i64: 128, 64>}, {pipeline_mode = #tpu.pipeline_mode<synchronous>, transform_indices = @transform_3, window_bounds = array<i64: 64, 64>}, {transform_indices = @transform_4, window_bounds = array<i64: 128, 20>}, {transform_indices = @transform_5, window_bounds = array<i64: 128, 20>}, {transform_indices = @transform_6, window_bounds = array<i64: 128, 64>}]} {
    %mul3A = arith.constant 128 : i32
    %mul3A_0 = arith.muli %arg0, %mul3A : i32
    %iota3A = tpu.iota {dimensions = array<i32: 0>} : vector<128x1xi32>
    %add3A = vector.broadcast %mul3A_0 : i32 to vector<128x1xi32>
    %add3A_1 = arith.addi %add3A, %iota3A : vector<128x1xi32>
    %get3A = arith.constant 0 : index
    %get3A_2 = arith.constant 0 : index
    %get3A_3 = vector.load %arg2[%get3A, %get3A_2] : memref<128x24xi32, #tpu.memory_space<vmem>>, vector<128x24xi32>
    %mul3A_4 = arith.constant 784 : i32
    %mul3A_5 = vector.broadcast %mul3A_4 : i32 to vector<128x1xi32>
    %mul3A_6 = arith.muli %add3A_1, %mul3A_5 : vector<128x1xi32>
    %sub3A = vector.broadcast %mul3A_6 : vector<128x1xi32> to vector<128x24xi32>
    %sub3A_7 = arith.subi %get3A_3, %sub3A : vector<128x24xi32>
    %iota3A_8 = tpu.iota {dimensions = array<i32: 1>} : vector<128x128xi32>
    %slice3A = vector.extract_strided_slice %sub3A_7 {offsets = [0, 0], sizes = [128, 1], strides = [1, 1]} : vector<128x24xi32> to vector<128x1xi32>
    %mul3A_9 = arith.constant 128 : i32
    %mul3A_10 = vector.broadcast %mul3A_9 : i32 to vector<128x1xi32>
    %mul3A_11 = arith.muli %slice3A, %mul3A_10 : vector<128x1xi32>
    %add3A_12 = vector.broadcast %mul3A_11 : vector<128x1xi32> to vector<128x128xi32>
    %add3A_13 = arith.addi %add3A_12, %iota3A_8 : vector<128x128xi32>
    %slice3A_14 = vector.extract_strided_slice %sub3A_7 {offsets = [0, 1], sizes = [128, 1], strides = [1, 1]} : vector<128x24xi32> to vector<128x1xi32>
    %mul3A_15 = arith.constant 128 : i32
    %mul3A_16 = vector.broadcast %mul3A_15 : i32 to vector<128x1xi32>
    %mul3A_17 = arith.muli %slice3A_14, %mul3A_16 : vector<128x1xi32>
    %add3A_18 = vector.broadcast %mul3A_17 : vector<128x1xi32> to vector<128x128xi32>
    %add3A_19 = arith.addi %add3A_18, %iota3A_8 : vector<128x128xi32>
    %slice3A_20 = vector.extract_strided_slice %sub3A_7 {offsets = [0, 2], sizes = [128, 1], strides = [1, 1]} : vector<128x24xi32> to vector<128x1xi32>
    %mul3A_21 = arith.constant 128 : i32
    %mul3A_22 = vector.broadcast %mul3A_21 : i32 to vector<128x1xi32>
    %mul3A_23 = arith.muli %slice3A_20, %mul3A_22 : vector<128x1xi32>
    %add3A_24 = vector.broadcast %mul3A_23 : vector<128x1xi32> to vector<128x128xi32>
    %add3A_25 = arith.addi %add3A_24, %iota3A_8 : vector<128x128xi32>
    %slice3A_26 = vector.extract_strided_slice %sub3A_7 {offsets = [0, 3], sizes = [128, 1], strides = [1, 1]} : vector<128x24xi32> to vector<128x1xi32>
    %mul3A_27 = arith.constant 128 : i32
    %mul3A_28 = vector.broadcast %mul3A_27 : i32 to vector<128x1xi32>
    %mul3A_29 = arith.muli %slice3A_26, %mul3A_28 : vector<128x1xi32>
    %add3A_30 = vector.broadcast %mul3A_29 : vector<128x1xi32> to vector<128x128xi32>
    %add3A_31 = arith.addi %add3A_30, %iota3A_8 : vector<128x128xi32>
    %slice3A_32 = vector.extract_strided_slice %sub3A_7 {offsets = [0, 4], sizes = [128, 1], strides = [1, 1]} : vector<128x24xi32> to vector<128x1xi32>
    %mul3A_33 = arith.constant 128 : i32
    %mul3A_34 = vector.broadcast %mul3A_33 : i32 to vector<128x1xi32>
    %mul3A_35 = arith.muli %slice3A_32, %mul3A_34 : vector<128x1xi32>
    %add3A_36 = vector.broadcast %mul3A_35 : vector<128x1xi32> to vector<128x128xi32>
    %add3A_37 = arith.addi %add3A_36, %iota3A_8 : vector<128x128xi32>
    %slice3A_38 = vector.extract_strided_slice %sub3A_7 {offsets = [0, 5], sizes = [128, 1], strides = [1, 1]} : vector<128x24xi32> to vector<128x1xi32>
    %mul3A_39 = arith.constant 128 : i32
    %mul3A_40 = vector.broadcast %mul3A_39 : i32 to vector<128x1xi32>
    %mul3A_41 = arith.muli %slice3A_38, %mul3A_40 : vector<128x1xi32>
    %add3A_42 = vector.broadcast %mul3A_41 : vector<128x1xi32> to vector<128x128xi32>
    %add3A_43 = arith.addi %add3A_42, %iota3A_8 : vector<128x128xi32>
    %slice3A_44 = vector.extract_strided_slice %sub3A_7 {offsets = [0, 6], sizes = [128, 1], strides = [1, 1]} : vector<128x24xi32> to vector<128x1xi32>
    %mul3A_45 = arith.constant 128 : i32
    %mul3A_46 = vector.broadcast %mul3A_45 : i32 to vector<128x1xi32>
    %mul3A_47 = arith.muli %slice3A_44, %mul3A_46 : vector<128x1xi32>
    %add3A_48 = vector.broadcast %mul3A_47 : vector<128x1xi32> to vector<128x128xi32>
    %add3A_49 = arith.addi %add3A_48, %iota3A_8 : vector<128x128xi32>
    %slice3A_50 = vector.extract_strided_slice %sub3A_7 {offsets = [0, 7], sizes = [128, 1], strides = [1, 1]} : vector<128x24xi32> to vector<128x1xi32>
    %mul3A_51 = arith.constant 128 : i32
    %mul3A_52 = vector.broadcast %mul3A_51 : i32 to vector<128x1xi32>
    %mul3A_53 = arith.muli %slice3A_50, %mul3A_52 : vector<128x1xi32>
    %add3A_54 = vector.broadcast %mul3A_53 : vector<128x1xi32> to vector<128x128xi32>
    %add3A_55 = arith.addi %add3A_54, %iota3A_8 : vector<128x128xi32>
    %slice3A_56 = vector.extract_strided_slice %sub3A_7 {offsets = [0, 8], sizes = [128, 1], strides = [1, 1]} : vector<128x24xi32> to vector<128x1xi32>
    %mul3A_57 = arith.constant 128 : i32
    %mul3A_58 = vector.broadcast %mul3A_57 : i32 to vector<128x1xi32>
    %mul3A_59 = arith.muli %slice3A_56, %mul3A_58 : vector<128x1xi32>
    %add3A_60 = vector.broadcast %mul3A_59 : vector<128x1xi32> to vector<128x128xi32>
    %add3A_61 = arith.addi %add3A_60, %iota3A_8 : vector<128x128xi32>
    %slice3A_62 = vector.extract_strided_slice %sub3A_7 {offsets = [0, 9], sizes = [128, 1], strides = [1, 1]} : vector<128x24xi32> to vector<128x1xi32>
    %mul3A_63 = arith.constant 128 : i32
    %mul3A_64 = vector.broadcast %mul3A_63 : i32 to vector<128x1xi32>
    %mul3A_65 = arith.muli %slice3A_62, %mul3A_64 : vector<128x1xi32>
    %add3A_66 = vector.broadcast %mul3A_65 : vector<128x1xi32> to vector<128x128xi32>
    %add3A_67 = arith.addi %add3A_66, %iota3A_8 : vector<128x128xi32>
    %slice3A_68 = vector.extract_strided_slice %sub3A_7 {offsets = [0, 10], sizes = [128, 1], strides = [1, 1]} : vector<128x24xi32> to vector<128x1xi32>
    %mul3A_69 = arith.constant 128 : i32
    %mul3A_70 = vector.broadcast %mul3A_69 : i32 to vector<128x1xi32>
    %mul3A_71 = arith.muli %slice3A_68, %mul3A_70 : vector<128x1xi32>
    %add3A_72 = vector.broadcast %mul3A_71 : vector<128x1xi32> to vector<128x128xi32>
    %add3A_73 = arith.addi %add3A_72, %iota3A_8 : vector<128x128xi32>
    %slice3A_74 = vector.extract_strided_slice %sub3A_7 {offsets = [0, 11], sizes = [128, 1], strides = [1, 1]} : vector<128x24xi32> to vector<128x1xi32>
    %mul3A_75 = arith.constant 128 : i32
    %mul3A_76 = vector.broadcast %mul3A_75 : i32 to vector<128x1xi32>
    %mul3A_77 = arith.muli %slice3A_74, %mul3A_76 : vector<128x1xi32>
    %add3A_78 = vector.broadcast %mul3A_77 : vector<128x1xi32> to vector<128x128xi32>
    %add3A_79 = arith.addi %add3A_78, %iota3A_8 : vector<128x128xi32>
    %slice3A_80 = vector.extract_strided_slice %sub3A_7 {offsets = [0, 12], sizes = [128, 1], strides = [1, 1]} : vector<128x24xi32> to vector<128x1xi32>
    %mul3A_81 = arith.constant 128 : i32
    %mul3A_82 = vector.broadcast %mul3A_81 : i32 to vector<128x1xi32>
    %mul3A_83 = arith.muli %slice3A_80, %mul3A_82 : vector<128x1xi32>
    %add3A_84 = vector.broadcast %mul3A_83 : vector<128x1xi32> to vector<128x128xi32>
    %add3A_85 = arith.addi %add3A_84, %iota3A_8 : vector<128x128xi32>
    %slice3A_86 = vector.extract_strided_slice %sub3A_7 {offsets = [0, 13], sizes = [128, 1], strides = [1, 1]} : vector<128x24xi32> to vector<128x1xi32>
    %mul3A_87 = arith.constant 128 : i32
    %mul3A_88 = vector.broadcast %mul3A_87 : i32 to vector<128x1xi32>
    %mul3A_89 = arith.muli %slice3A_86, %mul3A_88 : vector<128x1xi32>
    %add3A_90 = vector.broadcast %mul3A_89 : vector<128x1xi32> to vector<128x128xi32>
    %add3A_91 = arith.addi %add3A_90, %iota3A_8 : vector<128x128xi32>
    %slice3A_92 = vector.extract_strided_slice %sub3A_7 {offsets = [0, 14], sizes = [128, 1], strides = [1, 1]} : vector<128x24xi32> to vector<128x1xi32>
    %mul3A_93 = arith.constant 128 : i32
    %mul3A_94 = vector.broadcast %mul3A_93 : i32 to vector<128x1xi32>
    %mul3A_95 = arith.muli %slice3A_92, %mul3A_94 : vector<128x1xi32>
    %add3A_96 = vector.broadcast %mul3A_95 : vector<128x1xi32> to vector<128x128xi32>
    %add3A_97 = arith.addi %add3A_96, %iota3A_8 : vector<128x128xi32>
    %slice3A_98 = vector.extract_strided_slice %sub3A_7 {offsets = [0, 15], sizes = [128, 1], strides = [1, 1]} : vector<128x24xi32> to vector<128x1xi32>
    %mul3A_99 = arith.constant 128 : i32
    %mul3A_100 = vector.broadcast %mul3A_99 : i32 to vector<128x1xi32>
    %mul3A_101 = arith.muli %slice3A_98, %mul3A_100 : vector<128x1xi32>
    %add3A_102 = vector.broadcast %mul3A_101 : vector<128x1xi32> to vector<128x128xi32>
    %add3A_103 = arith.addi %add3A_102, %iota3A_8 : vector<128x128xi32>
    %slice3A_104 = vector.extract_strided_slice %sub3A_7 {offsets = [0, 16], sizes = [128, 1], strides = [1, 1]} : vector<128x24xi32> to vector<128x1xi32>
    %mul3A_105 = arith.constant 128 : i32
    %mul3A_106 = vector.broadcast %mul3A_105 : i32 to vector<128x1xi32>
    %mul3A_107 = arith.muli %slice3A_104, %mul3A_106 : vector<128x1xi32>
    %add3A_108 = vector.broadcast %mul3A_107 : vector<128x1xi32> to vector<128x128xi32>
    %add3A_109 = arith.addi %add3A_108, %iota3A_8 : vector<128x128xi32>
    %slice3A_110 = vector.extract_strided_slice %sub3A_7 {offsets = [0, 17], sizes = [128, 1], strides = [1, 1]} : vector<128x24xi32> to vector<128x1xi32>
    %mul3A_111 = arith.constant 128 : i32
    %mul3A_112 = vector.broadcast %mul3A_111 : i32 to vector<128x1xi32>
    %mul3A_113 = arith.muli %slice3A_110, %mul3A_112 : vector<128x1xi32>
    %add3A_114 = vector.broadcast %mul3A_113 : vector<128x1xi32> to vector<128x128xi32>
    %add3A_115 = arith.addi %add3A_114, %iota3A_8 : vector<128x128xi32>
    %slice3A_116 = vector.extract_strided_slice %sub3A_7 {offsets = [0, 18], sizes = [128, 1], strides = [1, 1]} : vector<128x24xi32> to vector<128x1xi32>
    %mul3A_117 = arith.constant 128 : i32
    %mul3A_118 = vector.broadcast %mul3A_117 : i32 to vector<128x1xi32>
    %mul3A_119 = arith.muli %slice3A_116, %mul3A_118 : vector<128x1xi32>
    %add3A_120 = vector.broadcast %mul3A_119 : vector<128x1xi32> to vector<128x128xi32>
    %add3A_121 = arith.addi %add3A_120, %iota3A_8 : vector<128x128xi32>
    %slice3A_122 = vector.extract_strided_slice %sub3A_7 {offsets = [0, 19], sizes = [128, 1], strides = [1, 1]} : vector<128x24xi32> to vector<128x1xi32>
    %mul3A_123 = arith.constant 128 : i32
    %mul3A_124 = vector.broadcast %mul3A_123 : i32 to vector<128x1xi32>
    %mul3A_125 = arith.muli %slice3A_122, %mul3A_124 : vector<128x1xi32>
    %add3A_126 = vector.broadcast %mul3A_125 : vector<128x1xi32> to vector<128x128xi32>
    %add3A_127 = arith.addi %add3A_126, %iota3A_8 : vector<128x128xi32>
    %slice3A_128 = vector.extract_strided_slice %sub3A_7 {offsets = [0, 20], sizes = [128, 1], strides = [1, 1]} : vector<128x24xi32> to vector<128x1xi32>
    %mul3A_129 = arith.constant 128 : i32
    %mul3A_130 = vector.broadcast %mul3A_129 : i32 to vector<128x1xi32>
    %mul3A_131 = arith.muli %slice3A_128, %mul3A_130 : vector<128x1xi32>
    %add3A_132 = vector.broadcast %mul3A_131 : vector<128x1xi32> to vector<128x128xi32>
    %add3A_133 = arith.addi %add3A_132, %iota3A_8 : vector<128x128xi32>
    %slice3A_134 = vector.extract_strided_slice %sub3A_7 {offsets = [0, 21], sizes = [128, 1], strides = [1, 1]} : vector<128x24xi32> to vector<128x1xi32>
    %mul3A_135 = arith.constant 128 : i32
    %mul3A_136 = vector.broadcast %mul3A_135 : i32 to vector<128x1xi32>
    %mul3A_137 = arith.muli %slice3A_134, %mul3A_136 : vector<128x1xi32>
    %add3A_138 = vector.broadcast %mul3A_137 : vector<128x1xi32> to vector<128x128xi32>
    %add3A_139 = arith.addi %add3A_138, %iota3A_8 : vector<128x128xi32>
    %slice3A_140 = vector.extract_strided_slice %sub3A_7 {offsets = [0, 22], sizes = [128, 1], strides = [1, 1]} : vector<128x24xi32> to vector<128x1xi32>
    %mul3A_141 = arith.constant 128 : i32
    %mul3A_142 = vector.broadcast %mul3A_141 : i32 to vector<128x1xi32>
    %mul3A_143 = arith.muli %slice3A_140, %mul3A_142 : vector<128x1xi32>
    %add3A_144 = vector.broadcast %mul3A_143 : vector<128x1xi32> to vector<128x128xi32>
    %add3A_145 = arith.addi %add3A_144, %iota3A_8 : vector<128x128xi32>
    %slice3A_146 = vector.extract_strided_slice %sub3A_7 {offsets = [0, 23], sizes = [128, 1], strides = [1, 1]} : vector<128x24xi32> to vector<128x1xi32>
    %mul3A_147 = arith.constant 128 : i32
    %mul3A_148 = vector.broadcast %mul3A_147 : i32 to vector<128x1xi32>
    %mul3A_149 = arith.muli %slice3A_146, %mul3A_148 : vector<128x1xi32>
    %add3A_150 = vector.broadcast %mul3A_149 : vector<128x1xi32> to vector<128x128xi32>
    %add3A_151 = arith.addi %add3A_150, %iota3A_8 : vector<128x128xi32>
    %concatenate3A = tpu.concatenate %add3A_13, %add3A_19, %add3A_25, %add3A_31, %add3A_37, %add3A_43, %add3A_49, %add3A_55, %add3A_61, %add3A_67, %add3A_73, %add3A_79, %add3A_85, %add3A_91, %add3A_97, %add3A_103, %add3A_109, %add3A_115, %add3A_121, %add3A_127, %add3A_133, %add3A_139, %add3A_145, %add3A_151 in 1 : vector<128x128xi32>, vector<128x128xi32>, vector<128x128xi32>, vector<128x128xi32>, vector<128x128xi32>, vector<128x128xi32>, vector<128x128xi32>, vector<128x128xi32>, vector<128x128xi32>, vector<128x128xi32>, vector<128x128xi32>, vector<128x128xi32>, vector<128x128xi32>, vector<128x128xi32>, vector<128x128xi32>, vector<128x128xi32>, vector<128x128xi32>, vector<128x128xi32>, vector<128x128xi32>, vector<128x128xi32>, vector<128x128xi32>, vector<128x128xi32>, vector<128x128xi32>, vector<128x128xi32> -> vector<128x3072xi32>
    %lt3A = arith.constant 100000 : i32
    %lt3A_152 = vector.broadcast %lt3A : i32 to vector<128x3072xi32>
    %lt3A_153 = arith.cmpi slt, %concatenate3A, %lt3A_152 : vector<128x3072xi32>
    %get3A_154 = arith.constant 0 : index
    %get3A_155 = arith.constant 0 : index
    %get3A_156 = vector.load %arg1[%get3A_154, %get3A_155] : memref<128x3072xf32, #tpu.memory_space<vmem>>, vector<128x3072xf32>
    %jit3A = arith.constant 0xFF800000 : f32
    %broadcast_in_dim3A = vector.broadcast %jit3A : f32 to vector<128x3072xf32>
    %select_n3A = arith.select %lt3A_153, %get3A_156, %broadcast_in_dim3A : vector<128x3072xi1>, vector<128x3072xf32>
    %iota3A_157 = tpu.iota {dimensions = array<i32: 1>} : vector<128x20xi32>
    %broadcast_in_dim3A_158 = arith.constant 0.000000e+00 : f32
    %broadcast_in_dim3A_159 = vector.broadcast %broadcast_in_dim3A_158 : f32 to vector<128x20xf32>
    %broadcast_in_dim3A_160 = arith.constant 0 : i32
    %broadcast_in_dim3A_161 = vector.broadcast %broadcast_in_dim3A_160 : i32 to vector<128x20xi32>
    %scan3A = arith.constant 0 : i32
    %scan3A_162 = arith.constant 20 : i32
    %scan3A_163 = arith.addi %scan3A, %scan3A_162 : i32
    %scan3A_164 = arith.constant 1 : i32
    %scan3A_165:3 = scf.for %scan3A_182 = %scan3A to %scan3A_163 step %scan3A_164 iter_args(%scan3A_183 = %select_n3A, %scan3A_184 = %broadcast_in_dim3A_159, %scan3A_185 = %broadcast_in_dim3A_161) -> (vector<128x3072xf32>, vector<128x20xf32>, vector<128x20xi32>)  : i32 {
      %reduce_max3A = arith.constant dense<0xFF800000> : vector<128xf32>
      %reduce_max3A_186 = vector.multi_reduction <maximumf>, %scan3A_183, %reduce_max3A [1] : vector<128x3072xf32> to vector<128xf32>
      %broadcast_in_dim3A_187 = vector.shape_cast %reduce_max3A_186 : vector<128xf32> to vector<128x1xf32>
      %eq3A = vector.broadcast %broadcast_in_dim3A_187 : vector<128x1xf32> to vector<128x3072xf32>
      %eq3A_188 = arith.cmpf oeq, %scan3A_183, %eq3A : vector<128x3072xf32>
      %jit3A_189 = arith.constant 2147483647 : i32
      %broadcast_in_dim3A_190 = vector.broadcast %jit3A_189 : i32 to vector<128x3072xi32>
      %select_n3A_191 = arith.select %eq3A_188, %concatenate3A, %broadcast_in_dim3A_190 : vector<128x3072xi1>, vector<128x3072xi32>
      %reduce_min3A = arith.constant dense<2147483647> : vector<128xi32>
      %reduce_min3A_192 = vector.multi_reduction <minsi>, %select_n3A_191, %reduce_min3A [1] : vector<128x3072xi32> to vector<128xi32>
      %broadcast_in_dim3A_193 = vector.shape_cast %reduce_min3A_192 : vector<128xi32> to vector<128x1xi32>
      %eq3A_194 = vector.broadcast %scan3A_182 : i32 to vector<128x20xi32>
      %eq3A_195 = arith.cmpi eq, %iota3A_157, %eq3A_194 : vector<128x20xi32>
      %broadcast_in_dim3A_196 = vector.shape_cast %broadcast_in_dim3A_187 : vector<128x1xf32> to vector<128x1xf32>
      %broadcast_in_dim3A_197 = vector.broadcast %broadcast_in_dim3A_196 : vector<128x1xf32> to vector<128x20xf32>
      %select_n3A_198 = arith.select %eq3A_195, %broadcast_in_dim3A_197, %scan3A_184 : vector<128x20xi1>, vector<128x20xf32>
      %eq3A_199 = vector.broadcast %scan3A_182 : i32 to vector<128x20xi32>
      %eq3A_200 = arith.cmpi eq, %iota3A_157, %eq3A_199 : vector<128x20xi32>
      %broadcast_in_dim3A_201 = vector.shape_cast %broadcast_in_dim3A_193 : vector<128x1xi32> to vector<128x1xi32>
      %broadcast_in_dim3A_202 = vector.broadcast %broadcast_in_dim3A_201 : vector<128x1xi32> to vector<128x20xi32>
      %select_n3A_203 = arith.select %eq3A_200, %broadcast_in_dim3A_202, %scan3A_185 : vector<128x20xi1>, vector<128x20xi32>
      %eq3A_204 = vector.broadcast %broadcast_in_dim3A_193 : vector<128x1xi32> to vector<128x3072xi32>
      %eq3A_205 = arith.cmpi eq, %concatenate3A, %eq3A_204 : vector<128x3072xi32>
      %jit3A_206 = arith.constant 0xFF800000 : f32
      %broadcast_in_dim3A_207 = vector.broadcast %jit3A_206 : f32 to vector<128x3072xf32>
      %select_n3A_208 = arith.select %eq3A_205, %broadcast_in_dim3A_207, %scan3A_183 : vector<128x3072xi1>, vector<128x3072xf32>
      scf.yield %select_n3A_208, %select_n3A_198, %select_n3A_203 : vector<128x3072xf32>, vector<128x20xf32>, vector<128x20xi32>
    }
    %scan3A_166 = arith.constant 20 : i32
    %swap3A = arith.constant 0 : index
    %swap3A_167 = arith.constant 0 : index
    %swap3A_168 = vector.load %arg5[%swap3A, %swap3A_167] : memref<128x20xf32, #tpu.memory_space<vmem>>, vector<128x20xf32>
    tpu.vector_store %arg5[%swap3A, %swap3A_167], %scan3A_165#1 {strides = array<i32>} : memref<128x20xf32, #tpu.memory_space<vmem>>, vector<128x20xf32>,
    %swap3A_169 = arith.constant 0 : index
    %swap3A_170 = arith.constant 0 : index
    %swap3A_171 = vector.load %arg6[%swap3A_169, %swap3A_170] : memref<128x20xi32, #tpu.memory_space<vmem>>, vector<128x20xi32>
    tpu.vector_store %arg6[%swap3A_169, %swap3A_170], %scan3A_165#2 {strides = array<i32>} : memref<128x20xi32, #tpu.memory_space<vmem>>, vector<128x20xi32>,
    %get3A_172 = arith.constant 0 : index
    %get3A_173 = arith.constant 0 : index
    %get3A_174 = vector.load %arg3[%get3A_172, %get3A_173] : memref<128x64xf32, #tpu.memory_space<vmem>>, vector<128x64xf32>
    %get3A_175 = arith.constant 0 : index
    %get3A_176 = arith.constant 0 : index
    %get3A_177 = vector.load %arg4[%get3A_175, %get3A_176] : memref<64x64xf32, #tpu.memory_space<vmem>>, vector<64x64xf32>
    %dot_general3A = arith.constant dense<0.000000e+00> : vector<128x64xf32>
    %dot_general3A_178 = tpu.matmul %get3A_174, %get3A_177, %dot_general3A {dimension_numbers = #tpu.dot_dimension_numbers<[1], [0], [0], [1], [0, 0, 1, 1], [], []>, transpose_lhs_hint = false} : vector<128x64xf32>, vector<64x64xf32>, vector<128x64xf32> -> vector<128x64xf32>
    %swap3A_179 = arith.constant 0 : index
    %swap3A_180 = arith.constant 0 : index
    %swap3A_181 = vector.load %arg7[%swap3A_179, %swap3A_180] : memref<128x64xf32, #tpu.memory_space<vmem>>, vector<128x64xf32>
    tpu.vector_store %arg7[%swap3A_179, %swap3A_180], %dot_general3A_178 {strides = array<i32>} : memref<128x64xf32, #tpu.memory_space<vmem>>, vector<128x64xf32>,
    return
  }
  func.func @transform_0(%arg0: i32) -> (i32, i32) {
    %c0_i32 = arith.constant 0 : i32
    %c0_i32_0 = arith.constant 0 : i32
    return %arg0, %c0_i32 : i32, i32
  }
  func.func @transform_1(%arg0: i32) -> (i32, i32) {
    %c0_i32 = arith.constant 0 : i32
    %c0_i32_0 = arith.constant 0 : i32
    return %arg0, %c0_i32 : i32, i32
  }
  func.func @transform_2(%arg0: i32) -> (i32, i32) {
    %c0_i32 = arith.constant 0 : i32
    %c0_i32_0 = arith.constant 0 : i32
    return %arg0, %c0_i32 : i32, i32
  }
  func.func @transform_3(%arg0: i32) -> (i32, i32) {
    %c0_i32 = arith.constant 0 : i32
    %c0_i32_0 = arith.constant 0 : i32
    %c0_i32_1 = arith.constant 0 : i32
    return %c0_i32, %c0_i32_0 : i32, i32
  }
  func.func @transform_4(%arg0: i32) -> (i32, i32) {
    %c0_i32 = arith.constant 0 : i32
    %c0_i32_0 = arith.constant 0 : i32
    return %arg0, %c0_i32 : i32, i32
  }
  func.func @transform_5(%arg0: i32) -> (i32, i32) {
    %c0_i32 = arith.constant 0 : i32
    %c0_i32_0 = arith.constant 0 : i32
    return %arg0, %c0_i32 : i32, i32
  }
  func.func @transform_6(%arg0: i32) -> (i32, i32) {
    %c0_i32 = arith.constant 0 : i32
    %c0_i32_0 = arith.constant 0 : i32
    return %arg0, %c0_i32 : i32, i32
  }
}

module attributes {stable_mosaic.version = 14 : i64} {
  func.func @_fine_body(%arg0: i32, %arg1: memref<128x64xf32, #tpu.memory_space<vmem>>, %arg2: memref<128x2560xf32, #tpu.memory_space<vmem>>, %arg3: memref<128x20xi32, #tpu.memory_space<vmem>>, %arg4: memref<128x10xf32, #tpu.memory_space<vmem>>, %arg5: memref<128x10xi32, #tpu.memory_space<vmem>>) attributes {dimension_semantics = [#tpu.dimension_semantics<arbitrary>], iteration_bounds = array<i64: 4>, scalar_prefetch = 0 : i64, scratch_operands = 0 : i64, tpu.core_type = #tpu.core_type<tc>, window_params = [{transform_indices = @transform_0, window_bounds = array<i64: 128, 64>}, {transform_indices = @transform_1, window_bounds = array<i64: 128, 2560>}, {transform_indices = @transform_2, window_bounds = array<i64: 128, 20>}, {transform_indices = @transform_3, window_bounds = array<i64: 128, 10>}, {transform_indices = @transform_4, window_bounds = array<i64: 128, 10>}]} {
    %get3A = arith.constant 0 : index
    %get3A_0 = arith.constant 0 : index
    %get3A_1 = vector.load %arg1[%get3A, %get3A_0] : memref<128x64xf32, #tpu.memory_space<vmem>>, vector<128x64xf32>
    %get3A_2 = arith.constant 0 : index
    %get3A_3 = arith.constant 0 : index
    %get3A_4 = vector.load %arg2[%get3A_2, %get3A_3] : memref<128x2560xf32, #tpu.memory_space<vmem>>, vector<128x2560xf32>
    %get3A_5 = arith.constant 0 : index
    %get3A_6 = arith.constant 0 : index
    %get3A_7 = vector.load %arg3[%get3A_5, %get3A_6] : memref<128x20xi32, #tpu.memory_space<vmem>>, vector<128x20xi32>
    %slice3A = vector.extract_strided_slice %get3A_7 {offsets = [0, 0], sizes = [128, 1], strides = [1, 1]} : vector<128x20xi32> to vector<128x1xi32>
    %jit3A = arith.constant 2 : i32
    %eq3A = arith.constant 0 : i32
    %eq3A_8 = arith.cmpi eq, %jit3A, %eq3A : i32
    %jit3A_9 = arith.constant 1 : i32
    %select_n3A = arith.select %eq3A_8, %jit3A_9, %jit3A : i32
    %rem3A = vector.broadcast %select_n3A : i32 to vector<128x1xi32>
    %rem3A_10 = arith.remsi %slice3A, %rem3A : vector<128x1xi32>
    %ne3A = arith.constant 0 : i32
    %ne3A_11 = vector.broadcast %ne3A : i32 to vector<128x1xi32>
    %ne3A_12 = arith.cmpi ne, %rem3A_10, %ne3A_11 : vector<128x1xi32>
    %lt3A = arith.constant 0 : i32
    %lt3A_13 = vector.broadcast %lt3A : i32 to vector<128x1xi32>
    %lt3A_14 = arith.cmpi slt, %rem3A_10, %lt3A_13 : vector<128x1xi32>
    %lt3A_15 = arith.constant 0 : i32
    %lt3A_16 = arith.cmpi slt, %select_n3A, %lt3A_15 : i32
    %ne3A_17 = vector.broadcast %lt3A_16 : i1 to vector<128x1xi1>
    %ne3A_18 = vector.broadcast %ne3A_17 : vector<128x1xi1> to vector<128x1xi1>
    %ne3A_19 = arith.xori %lt3A_14, %ne3A_18 : vector<128x1xi1>
    %and3A = arith.andi %ne3A_19, %ne3A_12 : vector<128x1xi1>
    %add3A = vector.broadcast %select_n3A : i32 to vector<128x1xi32>
    %add3A_20 = arith.addi %rem3A_10, %add3A : vector<128x1xi32>
    %select_n3A_21 = arith.select %and3A, %add3A_20, %rem3A_10 : vector<128x1xi1>, vector<128x1xi32>
    %eq3A_22 = arith.constant 1 : i32
    %eq3A_23 = vector.broadcast %eq3A_22 : i32 to vector<128x1xi32>
    %eq3A_24 = arith.cmpi eq, %select_n3A_21, %eq3A_23 : vector<128x1xi32>
    %slice3A_25 = vector.extract_strided_slice %get3A_4 {offsets = [0, 64], sizes = [128, 64], strides = [1, 1]} : vector<128x2560xf32> to vector<128x64xf32>
    %slice3A_26 = vector.extract_strided_slice %get3A_4 {offsets = [0, 0], sizes = [128, 64], strides = [1, 1]} : vector<128x2560xf32> to vector<128x64xf32>
    %broadcast_in_dim3A = vector.shape_cast %eq3A_24 : vector<128x1xi1> to vector<128x1xi1>
    %broadcast_in_dim3A_27 = vector.broadcast %broadcast_in_dim3A : vector<128x1xi1> to vector<128x64xi1>
    %select_n3A_28 = arith.select %broadcast_in_dim3A_27, %slice3A_25, %slice3A_26 : vector<128x64xi1>, vector<128x64xf32>
    %mul3A = arith.mulf %select_n3A_28, %get3A_1 : vector<128x64xf32>
    %reduce_sum3A = arith.constant dense<0.000000e+00> : vector<128xf32>
    %reduce_sum3A_29 = vector.multi_reduction <add>, %mul3A, %reduce_sum3A [1] : vector<128x64xf32> to vector<128xf32>
    %broadcast_in_dim3A_30 = vector.shape_cast %reduce_sum3A_29 : vector<128xf32> to vector<128x1xf32>
    %slice3A_31 = vector.extract_strided_slice %get3A_7 {offsets = [0, 1], sizes = [128, 1], strides = [1, 1]} : vector<128x20xi32> to vector<128x1xi32>
    %jit3A_32 = arith.constant 2 : i32
    %eq3A_33 = arith.constant 0 : i32
    %eq3A_34 = arith.cmpi eq, %jit3A_32, %eq3A_33 : i32
    %jit3A_35 = arith.constant 1 : i32
    %select_n3A_36 = arith.select %eq3A_34, %jit3A_35, %jit3A_32 : i32
    %rem3A_37 = vector.broadcast %select_n3A_36 : i32 to vector<128x1xi32>
    %rem3A_38 = arith.remsi %slice3A_31, %rem3A_37 : vector<128x1xi32>
    %ne3A_39 = arith.constant 0 : i32
    %ne3A_40 = vector.broadcast %ne3A_39 : i32 to vector<128x1xi32>
    %ne3A_41 = arith.cmpi ne, %rem3A_38, %ne3A_40 : vector<128x1xi32>
    %lt3A_42 = arith.constant 0 : i32
    %lt3A_43 = vector.broadcast %lt3A_42 : i32 to vector<128x1xi32>
    %lt3A_44 = arith.cmpi slt, %rem3A_38, %lt3A_43 : vector<128x1xi32>
    %lt3A_45 = arith.constant 0 : i32
    %lt3A_46 = arith.cmpi slt, %select_n3A_36, %lt3A_45 : i32
    %ne3A_47 = vector.broadcast %lt3A_46 : i1 to vector<128x1xi1>
    %ne3A_48 = vector.broadcast %ne3A_47 : vector<128x1xi1> to vector<128x1xi1>
    %ne3A_49 = arith.xori %lt3A_44, %ne3A_48 : vector<128x1xi1>
    %and3A_50 = arith.andi %ne3A_49, %ne3A_41 : vector<128x1xi1>
    %add3A_51 = vector.broadcast %select_n3A_36 : i32 to vector<128x1xi32>
    %add3A_52 = arith.addi %rem3A_38, %add3A_51 : vector<128x1xi32>
    %select_n3A_53 = arith.select %and3A_50, %add3A_52, %rem3A_38 : vector<128x1xi1>, vector<128x1xi32>
    %eq3A_54 = arith.constant 1 : i32
    %eq3A_55 = vector.broadcast %eq3A_54 : i32 to vector<128x1xi32>
    %eq3A_56 = arith.cmpi eq, %select_n3A_53, %eq3A_55 : vector<128x1xi32>
    %slice3A_57 = vector.extract_strided_slice %get3A_4 {offsets = [0, 192], sizes = [128, 64], strides = [1, 1]} : vector<128x2560xf32> to vector<128x64xf32>
    %slice3A_58 = vector.extract_strided_slice %get3A_4 {offsets = [0, 128], sizes = [128, 64], strides = [1, 1]} : vector<128x2560xf32> to vector<128x64xf32>
    %broadcast_in_dim3A_59 = vector.shape_cast %eq3A_56 : vector<128x1xi1> to vector<128x1xi1>
    %broadcast_in_dim3A_60 = vector.broadcast %broadcast_in_dim3A_59 : vector<128x1xi1> to vector<128x64xi1>
    %select_n3A_61 = arith.select %broadcast_in_dim3A_60, %slice3A_57, %slice3A_58 : vector<128x64xi1>, vector<128x64xf32>
    %mul3A_62 = arith.mulf %select_n3A_61, %get3A_1 : vector<128x64xf32>
    %reduce_sum3A_63 = arith.constant dense<0.000000e+00> : vector<128xf32>
    %reduce_sum3A_64 = vector.multi_reduction <add>, %mul3A_62, %reduce_sum3A_63 [1] : vector<128x64xf32> to vector<128xf32>
    %broadcast_in_dim3A_65 = vector.shape_cast %reduce_sum3A_64 : vector<128xf32> to vector<128x1xf32>
    %slice3A_66 = vector.extract_strided_slice %get3A_7 {offsets = [0, 2], sizes = [128, 1], strides = [1, 1]} : vector<128x20xi32> to vector<128x1xi32>
    %jit3A_67 = arith.constant 2 : i32
    %eq3A_68 = arith.constant 0 : i32
    %eq3A_69 = arith.cmpi eq, %jit3A_67, %eq3A_68 : i32
    %jit3A_70 = arith.constant 1 : i32
    %select_n3A_71 = arith.select %eq3A_69, %jit3A_70, %jit3A_67 : i32
    %rem3A_72 = vector.broadcast %select_n3A_71 : i32 to vector<128x1xi32>
    %rem3A_73 = arith.remsi %slice3A_66, %rem3A_72 : vector<128x1xi32>
    %ne3A_74 = arith.constant 0 : i32
    %ne3A_75 = vector.broadcast %ne3A_74 : i32 to vector<128x1xi32>
    %ne3A_76 = arith.cmpi ne, %rem3A_73, %ne3A_75 : vector<128x1xi32>
    %lt3A_77 = arith.constant 0 : i32
    %lt3A_78 = vector.broadcast %lt3A_77 : i32 to vector<128x1xi32>
    %lt3A_79 = arith.cmpi slt, %rem3A_73, %lt3A_78 : vector<128x1xi32>
    %lt3A_80 = arith.constant 0 : i32
    %lt3A_81 = arith.cmpi slt, %select_n3A_71, %lt3A_80 : i32
    %ne3A_82 = vector.broadcast %lt3A_81 : i1 to vector<128x1xi1>
    %ne3A_83 = vector.broadcast %ne3A_82 : vector<128x1xi1> to vector<128x1xi1>
    %ne3A_84 = arith.xori %lt3A_79, %ne3A_83 : vector<128x1xi1>
    %and3A_85 = arith.andi %ne3A_84, %ne3A_76 : vector<128x1xi1>
    %add3A_86 = vector.broadcast %select_n3A_71 : i32 to vector<128x1xi32>
    %add3A_87 = arith.addi %rem3A_73, %add3A_86 : vector<128x1xi32>
    %select_n3A_88 = arith.select %and3A_85, %add3A_87, %rem3A_73 : vector<128x1xi1>, vector<128x1xi32>
    %eq3A_89 = arith.constant 1 : i32
    %eq3A_90 = vector.broadcast %eq3A_89 : i32 to vector<128x1xi32>
    %eq3A_91 = arith.cmpi eq, %select_n3A_88, %eq3A_90 : vector<128x1xi32>
    %slice3A_92 = vector.extract_strided_slice %get3A_4 {offsets = [0, 320], sizes = [128, 64], strides = [1, 1]} : vector<128x2560xf32> to vector<128x64xf32>
    %slice3A_93 = vector.extract_strided_slice %get3A_4 {offsets = [0, 256], sizes = [128, 64], strides = [1, 1]} : vector<128x2560xf32> to vector<128x64xf32>
    %broadcast_in_dim3A_94 = vector.shape_cast %eq3A_91 : vector<128x1xi1> to vector<128x1xi1>
    %broadcast_in_dim3A_95 = vector.broadcast %broadcast_in_dim3A_94 : vector<128x1xi1> to vector<128x64xi1>
    %select_n3A_96 = arith.select %broadcast_in_dim3A_95, %slice3A_92, %slice3A_93 : vector<128x64xi1>, vector<128x64xf32>
    %mul3A_97 = arith.mulf %select_n3A_96, %get3A_1 : vector<128x64xf32>
    %reduce_sum3A_98 = arith.constant dense<0.000000e+00> : vector<128xf32>
    %reduce_sum3A_99 = vector.multi_reduction <add>, %mul3A_97, %reduce_sum3A_98 [1] : vector<128x64xf32> to vector<128xf32>
    %broadcast_in_dim3A_100 = vector.shape_cast %reduce_sum3A_99 : vector<128xf32> to vector<128x1xf32>
    %slice3A_101 = vector.extract_strided_slice %get3A_7 {offsets = [0, 3], sizes = [128, 1], strides = [1, 1]} : vector<128x20xi32> to vector<128x1xi32>
    %jit3A_102 = arith.constant 2 : i32
    %eq3A_103 = arith.constant 0 : i32
    %eq3A_104 = arith.cmpi eq, %jit3A_102, %eq3A_103 : i32
    %jit3A_105 = arith.constant 1 : i32
    %select_n3A_106 = arith.select %eq3A_104, %jit3A_105, %jit3A_102 : i32
    %rem3A_107 = vector.broadcast %select_n3A_106 : i32 to vector<128x1xi32>
    %rem3A_108 = arith.remsi %slice3A_101, %rem3A_107 : vector<128x1xi32>
    %ne3A_109 = arith.constant 0 : i32
    %ne3A_110 = vector.broadcast %ne3A_109 : i32 to vector<128x1xi32>
    %ne3A_111 = arith.cmpi ne, %rem3A_108, %ne3A_110 : vector<128x1xi32>
    %lt3A_112 = arith.constant 0 : i32
    %lt3A_113 = vector.broadcast %lt3A_112 : i32 to vector<128x1xi32>
    %lt3A_114 = arith.cmpi slt, %rem3A_108, %lt3A_113 : vector<128x1xi32>
    %lt3A_115 = arith.constant 0 : i32
    %lt3A_116 = arith.cmpi slt, %select_n3A_106, %lt3A_115 : i32
    %ne3A_117 = vector.broadcast %lt3A_116 : i1 to vector<128x1xi1>
    %ne3A_118 = vector.broadcast %ne3A_117 : vector<128x1xi1> to vector<128x1xi1>
    %ne3A_119 = arith.xori %lt3A_114, %ne3A_118 : vector<128x1xi1>
    %and3A_120 = arith.andi %ne3A_119, %ne3A_111 : vector<128x1xi1>
    %add3A_121 = vector.broadcast %select_n3A_106 : i32 to vector<128x1xi32>
    %add3A_122 = arith.addi %rem3A_108, %add3A_121 : vector<128x1xi32>
    %select_n3A_123 = arith.select %and3A_120, %add3A_122, %rem3A_108 : vector<128x1xi1>, vector<128x1xi32>
    %eq3A_124 = arith.constant 1 : i32
    %eq3A_125 = vector.broadcast %eq3A_124 : i32 to vector<128x1xi32>
    %eq3A_126 = arith.cmpi eq, %select_n3A_123, %eq3A_125 : vector<128x1xi32>
    %slice3A_127 = vector.extract_strided_slice %get3A_4 {offsets = [0, 448], sizes = [128, 64], strides = [1, 1]} : vector<128x2560xf32> to vector<128x64xf32>
    %slice3A_128 = vector.extract_strided_slice %get3A_4 {offsets = [0, 384], sizes = [128, 64], strides = [1, 1]} : vector<128x2560xf32> to vector<128x64xf32>
    %broadcast_in_dim3A_129 = vector.shape_cast %eq3A_126 : vector<128x1xi1> to vector<128x1xi1>
    %broadcast_in_dim3A_130 = vector.broadcast %broadcast_in_dim3A_129 : vector<128x1xi1> to vector<128x64xi1>
    %select_n3A_131 = arith.select %broadcast_in_dim3A_130, %slice3A_127, %slice3A_128 : vector<128x64xi1>, vector<128x64xf32>
    %mul3A_132 = arith.mulf %select_n3A_131, %get3A_1 : vector<128x64xf32>
    %reduce_sum3A_133 = arith.constant dense<0.000000e+00> : vector<128xf32>
    %reduce_sum3A_134 = vector.multi_reduction <add>, %mul3A_132, %reduce_sum3A_133 [1] : vector<128x64xf32> to vector<128xf32>
    %broadcast_in_dim3A_135 = vector.shape_cast %reduce_sum3A_134 : vector<128xf32> to vector<128x1xf32>
    %slice3A_136 = vector.extract_strided_slice %get3A_7 {offsets = [0, 4], sizes = [128, 1], strides = [1, 1]} : vector<128x20xi32> to vector<128x1xi32>
    %jit3A_137 = arith.constant 2 : i32
    %eq3A_138 = arith.constant 0 : i32
    %eq3A_139 = arith.cmpi eq, %jit3A_137, %eq3A_138 : i32
    %jit3A_140 = arith.constant 1 : i32
    %select_n3A_141 = arith.select %eq3A_139, %jit3A_140, %jit3A_137 : i32
    %rem3A_142 = vector.broadcast %select_n3A_141 : i32 to vector<128x1xi32>
    %rem3A_143 = arith.remsi %slice3A_136, %rem3A_142 : vector<128x1xi32>
    %ne3A_144 = arith.constant 0 : i32
    %ne3A_145 = vector.broadcast %ne3A_144 : i32 to vector<128x1xi32>
    %ne3A_146 = arith.cmpi ne, %rem3A_143, %ne3A_145 : vector<128x1xi32>
    %lt3A_147 = arith.constant 0 : i32
    %lt3A_148 = vector.broadcast %lt3A_147 : i32 to vector<128x1xi32>
    %lt3A_149 = arith.cmpi slt, %rem3A_143, %lt3A_148 : vector<128x1xi32>
    %lt3A_150 = arith.constant 0 : i32
    %lt3A_151 = arith.cmpi slt, %select_n3A_141, %lt3A_150 : i32
    %ne3A_152 = vector.broadcast %lt3A_151 : i1 to vector<128x1xi1>
    %ne3A_153 = vector.broadcast %ne3A_152 : vector<128x1xi1> to vector<128x1xi1>
    %ne3A_154 = arith.xori %lt3A_149, %ne3A_153 : vector<128x1xi1>
    %and3A_155 = arith.andi %ne3A_154, %ne3A_146 : vector<128x1xi1>
    %add3A_156 = vector.broadcast %select_n3A_141 : i32 to vector<128x1xi32>
    %add3A_157 = arith.addi %rem3A_143, %add3A_156 : vector<128x1xi32>
    %select_n3A_158 = arith.select %and3A_155, %add3A_157, %rem3A_143 : vector<128x1xi1>, vector<128x1xi32>
    %eq3A_159 = arith.constant 1 : i32
    %eq3A_160 = vector.broadcast %eq3A_159 : i32 to vector<128x1xi32>
    %eq3A_161 = arith.cmpi eq, %select_n3A_158, %eq3A_160 : vector<128x1xi32>
    %slice3A_162 = vector.extract_strided_slice %get3A_4 {offsets = [0, 576], sizes = [128, 64], strides = [1, 1]} : vector<128x2560xf32> to vector<128x64xf32>
    %slice3A_163 = vector.extract_strided_slice %get3A_4 {offsets = [0, 512], sizes = [128, 64], strides = [1, 1]} : vector<128x2560xf32> to vector<128x64xf32>
    %broadcast_in_dim3A_164 = vector.shape_cast %eq3A_161 : vector<128x1xi1> to vector<128x1xi1>
    %broadcast_in_dim3A_165 = vector.broadcast %broadcast_in_dim3A_164 : vector<128x1xi1> to vector<128x64xi1>
    %select_n3A_166 = arith.select %broadcast_in_dim3A_165, %slice3A_162, %slice3A_163 : vector<128x64xi1>, vector<128x64xf32>
    %mul3A_167 = arith.mulf %select_n3A_166, %get3A_1 : vector<128x64xf32>
    %reduce_sum3A_168 = arith.constant dense<0.000000e+00> : vector<128xf32>
    %reduce_sum3A_169 = vector.multi_reduction <add>, %mul3A_167, %reduce_sum3A_168 [1] : vector<128x64xf32> to vector<128xf32>
    %broadcast_in_dim3A_170 = vector.shape_cast %reduce_sum3A_169 : vector<128xf32> to vector<128x1xf32>
    %slice3A_171 = vector.extract_strided_slice %get3A_7 {offsets = [0, 5], sizes = [128, 1], strides = [1, 1]} : vector<128x20xi32> to vector<128x1xi32>
    %jit3A_172 = arith.constant 2 : i32
    %eq3A_173 = arith.constant 0 : i32
    %eq3A_174 = arith.cmpi eq, %jit3A_172, %eq3A_173 : i32
    %jit3A_175 = arith.constant 1 : i32
    %select_n3A_176 = arith.select %eq3A_174, %jit3A_175, %jit3A_172 : i32
    %rem3A_177 = vector.broadcast %select_n3A_176 : i32 to vector<128x1xi32>
    %rem3A_178 = arith.remsi %slice3A_171, %rem3A_177 : vector<128x1xi32>
    %ne3A_179 = arith.constant 0 : i32
    %ne3A_180 = vector.broadcast %ne3A_179 : i32 to vector<128x1xi32>
    %ne3A_181 = arith.cmpi ne, %rem3A_178, %ne3A_180 : vector<128x1xi32>
    %lt3A_182 = arith.constant 0 : i32
    %lt3A_183 = vector.broadcast %lt3A_182 : i32 to vector<128x1xi32>
    %lt3A_184 = arith.cmpi slt, %rem3A_178, %lt3A_183 : vector<128x1xi32>
    %lt3A_185 = arith.constant 0 : i32
    %lt3A_186 = arith.cmpi slt, %select_n3A_176, %lt3A_185 : i32
    %ne3A_187 = vector.broadcast %lt3A_186 : i1 to vector<128x1xi1>
    %ne3A_188 = vector.broadcast %ne3A_187 : vector<128x1xi1> to vector<128x1xi1>
    %ne3A_189 = arith.xori %lt3A_184, %ne3A_188 : vector<128x1xi1>
    %and3A_190 = arith.andi %ne3A_189, %ne3A_181 : vector<128x1xi1>
    %add3A_191 = vector.broadcast %select_n3A_176 : i32 to vector<128x1xi32>
    %add3A_192 = arith.addi %rem3A_178, %add3A_191 : vector<128x1xi32>
    %select_n3A_193 = arith.select %and3A_190, %add3A_192, %rem3A_178 : vector<128x1xi1>, vector<128x1xi32>
    %eq3A_194 = arith.constant 1 : i32
    %eq3A_195 = vector.broadcast %eq3A_194 : i32 to vector<128x1xi32>
    %eq3A_196 = arith.cmpi eq, %select_n3A_193, %eq3A_195 : vector<128x1xi32>
    %slice3A_197 = vector.extract_strided_slice %get3A_4 {offsets = [0, 704], sizes = [128, 64], strides = [1, 1]} : vector<128x2560xf32> to vector<128x64xf32>
    %slice3A_198 = vector.extract_strided_slice %get3A_4 {offsets = [0, 640], sizes = [128, 64], strides = [1, 1]} : vector<128x2560xf32> to vector<128x64xf32>
    %broadcast_in_dim3A_199 = vector.shape_cast %eq3A_196 : vector<128x1xi1> to vector<128x1xi1>
    %broadcast_in_dim3A_200 = vector.broadcast %broadcast_in_dim3A_199 : vector<128x1xi1> to vector<128x64xi1>
    %select_n3A_201 = arith.select %broadcast_in_dim3A_200, %slice3A_197, %slice3A_198 : vector<128x64xi1>, vector<128x64xf32>
    %mul3A_202 = arith.mulf %select_n3A_201, %get3A_1 : vector<128x64xf32>
    %reduce_sum3A_203 = arith.constant dense<0.000000e+00> : vector<128xf32>
    %reduce_sum3A_204 = vector.multi_reduction <add>, %mul3A_202, %reduce_sum3A_203 [1] : vector<128x64xf32> to vector<128xf32>
    %broadcast_in_dim3A_205 = vector.shape_cast %reduce_sum3A_204 : vector<128xf32> to vector<128x1xf32>
    %slice3A_206 = vector.extract_strided_slice %get3A_7 {offsets = [0, 6], sizes = [128, 1], strides = [1, 1]} : vector<128x20xi32> to vector<128x1xi32>
    %jit3A_207 = arith.constant 2 : i32
    %eq3A_208 = arith.constant 0 : i32
    %eq3A_209 = arith.cmpi eq, %jit3A_207, %eq3A_208 : i32
    %jit3A_210 = arith.constant 1 : i32
    %select_n3A_211 = arith.select %eq3A_209, %jit3A_210, %jit3A_207 : i32
    %rem3A_212 = vector.broadcast %select_n3A_211 : i32 to vector<128x1xi32>
    %rem3A_213 = arith.remsi %slice3A_206, %rem3A_212 : vector<128x1xi32>
    %ne3A_214 = arith.constant 0 : i32
    %ne3A_215 = vector.broadcast %ne3A_214 : i32 to vector<128x1xi32>
    %ne3A_216 = arith.cmpi ne, %rem3A_213, %ne3A_215 : vector<128x1xi32>
    %lt3A_217 = arith.constant 0 : i32
    %lt3A_218 = vector.broadcast %lt3A_217 : i32 to vector<128x1xi32>
    %lt3A_219 = arith.cmpi slt, %rem3A_213, %lt3A_218 : vector<128x1xi32>
    %lt3A_220 = arith.constant 0 : i32
    %lt3A_221 = arith.cmpi slt, %select_n3A_211, %lt3A_220 : i32
    %ne3A_222 = vector.broadcast %lt3A_221 : i1 to vector<128x1xi1>
    %ne3A_223 = vector.broadcast %ne3A_222 : vector<128x1xi1> to vector<128x1xi1>
    %ne3A_224 = arith.xori %lt3A_219, %ne3A_223 : vector<128x1xi1>
    %and3A_225 = arith.andi %ne3A_224, %ne3A_216 : vector<128x1xi1>
    %add3A_226 = vector.broadcast %select_n3A_211 : i32 to vector<128x1xi32>
    %add3A_227 = arith.addi %rem3A_213, %add3A_226 : vector<128x1xi32>
    %select_n3A_228 = arith.select %and3A_225, %add3A_227, %rem3A_213 : vector<128x1xi1>, vector<128x1xi32>
    %eq3A_229 = arith.constant 1 : i32
    %eq3A_230 = vector.broadcast %eq3A_229 : i32 to vector<128x1xi32>
    %eq3A_231 = arith.cmpi eq, %select_n3A_228, %eq3A_230 : vector<128x1xi32>
    %slice3A_232 = vector.extract_strided_slice %get3A_4 {offsets = [0, 832], sizes = [128, 64], strides = [1, 1]} : vector<128x2560xf32> to vector<128x64xf32>
    %slice3A_233 = vector.extract_strided_slice %get3A_4 {offsets = [0, 768], sizes = [128, 64], strides = [1, 1]} : vector<128x2560xf32> to vector<128x64xf32>
    %broadcast_in_dim3A_234 = vector.shape_cast %eq3A_231 : vector<128x1xi1> to vector<128x1xi1>
    %broadcast_in_dim3A_235 = vector.broadcast %broadcast_in_dim3A_234 : vector<128x1xi1> to vector<128x64xi1>
    %select_n3A_236 = arith.select %broadcast_in_dim3A_235, %slice3A_232, %slice3A_233 : vector<128x64xi1>, vector<128x64xf32>
    %mul3A_237 = arith.mulf %select_n3A_236, %get3A_1 : vector<128x64xf32>
    %reduce_sum3A_238 = arith.constant dense<0.000000e+00> : vector<128xf32>
    %reduce_sum3A_239 = vector.multi_reduction <add>, %mul3A_237, %reduce_sum3A_238 [1] : vector<128x64xf32> to vector<128xf32>
    %broadcast_in_dim3A_240 = vector.shape_cast %reduce_sum3A_239 : vector<128xf32> to vector<128x1xf32>
    %slice3A_241 = vector.extract_strided_slice %get3A_7 {offsets = [0, 7], sizes = [128, 1], strides = [1, 1]} : vector<128x20xi32> to vector<128x1xi32>
    %jit3A_242 = arith.constant 2 : i32
    %eq3A_243 = arith.constant 0 : i32
    %eq3A_244 = arith.cmpi eq, %jit3A_242, %eq3A_243 : i32
    %jit3A_245 = arith.constant 1 : i32
    %select_n3A_246 = arith.select %eq3A_244, %jit3A_245, %jit3A_242 : i32
    %rem3A_247 = vector.broadcast %select_n3A_246 : i32 to vector<128x1xi32>
    %rem3A_248 = arith.remsi %slice3A_241, %rem3A_247 : vector<128x1xi32>
    %ne3A_249 = arith.constant 0 : i32
    %ne3A_250 = vector.broadcast %ne3A_249 : i32 to vector<128x1xi32>
    %ne3A_251 = arith.cmpi ne, %rem3A_248, %ne3A_250 : vector<128x1xi32>
    %lt3A_252 = arith.constant 0 : i32
    %lt3A_253 = vector.broadcast %lt3A_252 : i32 to vector<128x1xi32>
    %lt3A_254 = arith.cmpi slt, %rem3A_248, %lt3A_253 : vector<128x1xi32>
    %lt3A_255 = arith.constant 0 : i32
    %lt3A_256 = arith.cmpi slt, %select_n3A_246, %lt3A_255 : i32
    %ne3A_257 = vector.broadcast %lt3A_256 : i1 to vector<128x1xi1>
    %ne3A_258 = vector.broadcast %ne3A_257 : vector<128x1xi1> to vector<128x1xi1>
    %ne3A_259 = arith.xori %lt3A_254, %ne3A_258 : vector<128x1xi1>
    %and3A_260 = arith.andi %ne3A_259, %ne3A_251 : vector<128x1xi1>
    %add3A_261 = vector.broadcast %select_n3A_246 : i32 to vector<128x1xi32>
    %add3A_262 = arith.addi %rem3A_248, %add3A_261 : vector<128x1xi32>
    %select_n3A_263 = arith.select %and3A_260, %add3A_262, %rem3A_248 : vector<128x1xi1>, vector<128x1xi32>
    %eq3A_264 = arith.constant 1 : i32
    %eq3A_265 = vector.broadcast %eq3A_264 : i32 to vector<128x1xi32>
    %eq3A_266 = arith.cmpi eq, %select_n3A_263, %eq3A_265 : vector<128x1xi32>
    %slice3A_267 = vector.extract_strided_slice %get3A_4 {offsets = [0, 960], sizes = [128, 64], strides = [1, 1]} : vector<128x2560xf32> to vector<128x64xf32>
    %slice3A_268 = vector.extract_strided_slice %get3A_4 {offsets = [0, 896], sizes = [128, 64], strides = [1, 1]} : vector<128x2560xf32> to vector<128x64xf32>
    %broadcast_in_dim3A_269 = vector.shape_cast %eq3A_266 : vector<128x1xi1> to vector<128x1xi1>
    %broadcast_in_dim3A_270 = vector.broadcast %broadcast_in_dim3A_269 : vector<128x1xi1> to vector<128x64xi1>
    %select_n3A_271 = arith.select %broadcast_in_dim3A_270, %slice3A_267, %slice3A_268 : vector<128x64xi1>, vector<128x64xf32>
    %mul3A_272 = arith.mulf %select_n3A_271, %get3A_1 : vector<128x64xf32>
    %reduce_sum3A_273 = arith.constant dense<0.000000e+00> : vector<128xf32>
    %reduce_sum3A_274 = vector.multi_reduction <add>, %mul3A_272, %reduce_sum3A_273 [1] : vector<128x64xf32> to vector<128xf32>
    %broadcast_in_dim3A_275 = vector.shape_cast %reduce_sum3A_274 : vector<128xf32> to vector<128x1xf32>
    %slice3A_276 = vector.extract_strided_slice %get3A_7 {offsets = [0, 8], sizes = [128, 1], strides = [1, 1]} : vector<128x20xi32> to vector<128x1xi32>
    %jit3A_277 = arith.constant 2 : i32
    %eq3A_278 = arith.constant 0 : i32
    %eq3A_279 = arith.cmpi eq, %jit3A_277, %eq3A_278 : i32
    %jit3A_280 = arith.constant 1 : i32
    %select_n3A_281 = arith.select %eq3A_279, %jit3A_280, %jit3A_277 : i32
    %rem3A_282 = vector.broadcast %select_n3A_281 : i32 to vector<128x1xi32>
    %rem3A_283 = arith.remsi %slice3A_276, %rem3A_282 : vector<128x1xi32>
    %ne3A_284 = arith.constant 0 : i32
    %ne3A_285 = vector.broadcast %ne3A_284 : i32 to vector<128x1xi32>
    %ne3A_286 = arith.cmpi ne, %rem3A_283, %ne3A_285 : vector<128x1xi32>
    %lt3A_287 = arith.constant 0 : i32
    %lt3A_288 = vector.broadcast %lt3A_287 : i32 to vector<128x1xi32>
    %lt3A_289 = arith.cmpi slt, %rem3A_283, %lt3A_288 : vector<128x1xi32>
    %lt3A_290 = arith.constant 0 : i32
    %lt3A_291 = arith.cmpi slt, %select_n3A_281, %lt3A_290 : i32
    %ne3A_292 = vector.broadcast %lt3A_291 : i1 to vector<128x1xi1>
    %ne3A_293 = vector.broadcast %ne3A_292 : vector<128x1xi1> to vector<128x1xi1>
    %ne3A_294 = arith.xori %lt3A_289, %ne3A_293 : vector<128x1xi1>
    %and3A_295 = arith.andi %ne3A_294, %ne3A_286 : vector<128x1xi1>
    %add3A_296 = vector.broadcast %select_n3A_281 : i32 to vector<128x1xi32>
    %add3A_297 = arith.addi %rem3A_283, %add3A_296 : vector<128x1xi32>
    %select_n3A_298 = arith.select %and3A_295, %add3A_297, %rem3A_283 : vector<128x1xi1>, vector<128x1xi32>
    %eq3A_299 = arith.constant 1 : i32
    %eq3A_300 = vector.broadcast %eq3A_299 : i32 to vector<128x1xi32>
    %eq3A_301 = arith.cmpi eq, %select_n3A_298, %eq3A_300 : vector<128x1xi32>
    %slice3A_302 = vector.extract_strided_slice %get3A_4 {offsets = [0, 1088], sizes = [128, 64], strides = [1, 1]} : vector<128x2560xf32> to vector<128x64xf32>
    %slice3A_303 = vector.extract_strided_slice %get3A_4 {offsets = [0, 1024], sizes = [128, 64], strides = [1, 1]} : vector<128x2560xf32> to vector<128x64xf32>
    %broadcast_in_dim3A_304 = vector.shape_cast %eq3A_301 : vector<128x1xi1> to vector<128x1xi1>
    %broadcast_in_dim3A_305 = vector.broadcast %broadcast_in_dim3A_304 : vector<128x1xi1> to vector<128x64xi1>
    %select_n3A_306 = arith.select %broadcast_in_dim3A_305, %slice3A_302, %slice3A_303 : vector<128x64xi1>, vector<128x64xf32>
    %mul3A_307 = arith.mulf %select_n3A_306, %get3A_1 : vector<128x64xf32>
    %reduce_sum3A_308 = arith.constant dense<0.000000e+00> : vector<128xf32>
    %reduce_sum3A_309 = vector.multi_reduction <add>, %mul3A_307, %reduce_sum3A_308 [1] : vector<128x64xf32> to vector<128xf32>
    %broadcast_in_dim3A_310 = vector.shape_cast %reduce_sum3A_309 : vector<128xf32> to vector<128x1xf32>
    %slice3A_311 = vector.extract_strided_slice %get3A_7 {offsets = [0, 9], sizes = [128, 1], strides = [1, 1]} : vector<128x20xi32> to vector<128x1xi32>
    %jit3A_312 = arith.constant 2 : i32
    %eq3A_313 = arith.constant 0 : i32
    %eq3A_314 = arith.cmpi eq, %jit3A_312, %eq3A_313 : i32
    %jit3A_315 = arith.constant 1 : i32
    %select_n3A_316 = arith.select %eq3A_314, %jit3A_315, %jit3A_312 : i32
    %rem3A_317 = vector.broadcast %select_n3A_316 : i32 to vector<128x1xi32>
    %rem3A_318 = arith.remsi %slice3A_311, %rem3A_317 : vector<128x1xi32>
    %ne3A_319 = arith.constant 0 : i32
    %ne3A_320 = vector.broadcast %ne3A_319 : i32 to vector<128x1xi32>
    %ne3A_321 = arith.cmpi ne, %rem3A_318, %ne3A_320 : vector<128x1xi32>
    %lt3A_322 = arith.constant 0 : i32
    %lt3A_323 = vector.broadcast %lt3A_322 : i32 to vector<128x1xi32>
    %lt3A_324 = arith.cmpi slt, %rem3A_318, %lt3A_323 : vector<128x1xi32>
    %lt3A_325 = arith.constant 0 : i32
    %lt3A_326 = arith.cmpi slt, %select_n3A_316, %lt3A_325 : i32
    %ne3A_327 = vector.broadcast %lt3A_326 : i1 to vector<128x1xi1>
    %ne3A_328 = vector.broadcast %ne3A_327 : vector<128x1xi1> to vector<128x1xi1>
    %ne3A_329 = arith.xori %lt3A_324, %ne3A_328 : vector<128x1xi1>
    %and3A_330 = arith.andi %ne3A_329, %ne3A_321 : vector<128x1xi1>
    %add3A_331 = vector.broadcast %select_n3A_316 : i32 to vector<128x1xi32>
    %add3A_332 = arith.addi %rem3A_318, %add3A_331 : vector<128x1xi32>
    %select_n3A_333 = arith.select %and3A_330, %add3A_332, %rem3A_318 : vector<128x1xi1>, vector<128x1xi32>
    %eq3A_334 = arith.constant 1 : i32
    %eq3A_335 = vector.broadcast %eq3A_334 : i32 to vector<128x1xi32>
    %eq3A_336 = arith.cmpi eq, %select_n3A_333, %eq3A_335 : vector<128x1xi32>
    %slice3A_337 = vector.extract_strided_slice %get3A_4 {offsets = [0, 1216], sizes = [128, 64], strides = [1, 1]} : vector<128x2560xf32> to vector<128x64xf32>
    %slice3A_338 = vector.extract_strided_slice %get3A_4 {offsets = [0, 1152], sizes = [128, 64], strides = [1, 1]} : vector<128x2560xf32> to vector<128x64xf32>
    %broadcast_in_dim3A_339 = vector.shape_cast %eq3A_336 : vector<128x1xi1> to vector<128x1xi1>
    %broadcast_in_dim3A_340 = vector.broadcast %broadcast_in_dim3A_339 : vector<128x1xi1> to vector<128x64xi1>
    %select_n3A_341 = arith.select %broadcast_in_dim3A_340, %slice3A_337, %slice3A_338 : vector<128x64xi1>, vector<128x64xf32>
    %mul3A_342 = arith.mulf %select_n3A_341, %get3A_1 : vector<128x64xf32>
    %reduce_sum3A_343 = arith.constant dense<0.000000e+00> : vector<128xf32>
    %reduce_sum3A_344 = vector.multi_reduction <add>, %mul3A_342, %reduce_sum3A_343 [1] : vector<128x64xf32> to vector<128xf32>
    %broadcast_in_dim3A_345 = vector.shape_cast %reduce_sum3A_344 : vector<128xf32> to vector<128x1xf32>
    %slice3A_346 = vector.extract_strided_slice %get3A_7 {offsets = [0, 10], sizes = [128, 1], strides = [1, 1]} : vector<128x20xi32> to vector<128x1xi32>
    %jit3A_347 = arith.constant 2 : i32
    %eq3A_348 = arith.constant 0 : i32
    %eq3A_349 = arith.cmpi eq, %jit3A_347, %eq3A_348 : i32
    %jit3A_350 = arith.constant 1 : i32
    %select_n3A_351 = arith.select %eq3A_349, %jit3A_350, %jit3A_347 : i32
    %rem3A_352 = vector.broadcast %select_n3A_351 : i32 to vector<128x1xi32>
    %rem3A_353 = arith.remsi %slice3A_346, %rem3A_352 : vector<128x1xi32>
    %ne3A_354 = arith.constant 0 : i32
    %ne3A_355 = vector.broadcast %ne3A_354 : i32 to vector<128x1xi32>
    %ne3A_356 = arith.cmpi ne, %rem3A_353, %ne3A_355 : vector<128x1xi32>
    %lt3A_357 = arith.constant 0 : i32
    %lt3A_358 = vector.broadcast %lt3A_357 : i32 to vector<128x1xi32>
    %lt3A_359 = arith.cmpi slt, %rem3A_353, %lt3A_358 : vector<128x1xi32>
    %lt3A_360 = arith.constant 0 : i32
    %lt3A_361 = arith.cmpi slt, %select_n3A_351, %lt3A_360 : i32
    %ne3A_362 = vector.broadcast %lt3A_361 : i1 to vector<128x1xi1>
    %ne3A_363 = vector.broadcast %ne3A_362 : vector<128x1xi1> to vector<128x1xi1>
    %ne3A_364 = arith.xori %lt3A_359, %ne3A_363 : vector<128x1xi1>
    %and3A_365 = arith.andi %ne3A_364, %ne3A_356 : vector<128x1xi1>
    %add3A_366 = vector.broadcast %select_n3A_351 : i32 to vector<128x1xi32>
    %add3A_367 = arith.addi %rem3A_353, %add3A_366 : vector<128x1xi32>
    %select_n3A_368 = arith.select %and3A_365, %add3A_367, %rem3A_353 : vector<128x1xi1>, vector<128x1xi32>
    %eq3A_369 = arith.constant 1 : i32
    %eq3A_370 = vector.broadcast %eq3A_369 : i32 to vector<128x1xi32>
    %eq3A_371 = arith.cmpi eq, %select_n3A_368, %eq3A_370 : vector<128x1xi32>
    %slice3A_372 = vector.extract_strided_slice %get3A_4 {offsets = [0, 1344], sizes = [128, 64], strides = [1, 1]} : vector<128x2560xf32> to vector<128x64xf32>
    %slice3A_373 = vector.extract_strided_slice %get3A_4 {offsets = [0, 1280], sizes = [128, 64], strides = [1, 1]} : vector<128x2560xf32> to vector<128x64xf32>
    %broadcast_in_dim3A_374 = vector.shape_cast %eq3A_371 : vector<128x1xi1> to vector<128x1xi1>
    %broadcast_in_dim3A_375 = vector.broadcast %broadcast_in_dim3A_374 : vector<128x1xi1> to vector<128x64xi1>
    %select_n3A_376 = arith.select %broadcast_in_dim3A_375, %slice3A_372, %slice3A_373 : vector<128x64xi1>, vector<128x64xf32>
    %mul3A_377 = arith.mulf %select_n3A_376, %get3A_1 : vector<128x64xf32>
    %reduce_sum3A_378 = arith.constant dense<0.000000e+00> : vector<128xf32>
    %reduce_sum3A_379 = vector.multi_reduction <add>, %mul3A_377, %reduce_sum3A_378 [1] : vector<128x64xf32> to vector<128xf32>
    %broadcast_in_dim3A_380 = vector.shape_cast %reduce_sum3A_379 : vector<128xf32> to vector<128x1xf32>
    %slice3A_381 = vector.extract_strided_slice %get3A_7 {offsets = [0, 11], sizes = [128, 1], strides = [1, 1]} : vector<128x20xi32> to vector<128x1xi32>
    %jit3A_382 = arith.constant 2 : i32
    %eq3A_383 = arith.constant 0 : i32
    %eq3A_384 = arith.cmpi eq, %jit3A_382, %eq3A_383 : i32
    %jit3A_385 = arith.constant 1 : i32
    %select_n3A_386 = arith.select %eq3A_384, %jit3A_385, %jit3A_382 : i32
    %rem3A_387 = vector.broadcast %select_n3A_386 : i32 to vector<128x1xi32>
    %rem3A_388 = arith.remsi %slice3A_381, %rem3A_387 : vector<128x1xi32>
    %ne3A_389 = arith.constant 0 : i32
    %ne3A_390 = vector.broadcast %ne3A_389 : i32 to vector<128x1xi32>
    %ne3A_391 = arith.cmpi ne, %rem3A_388, %ne3A_390 : vector<128x1xi32>
    %lt3A_392 = arith.constant 0 : i32
    %lt3A_393 = vector.broadcast %lt3A_392 : i32 to vector<128x1xi32>
    %lt3A_394 = arith.cmpi slt, %rem3A_388, %lt3A_393 : vector<128x1xi32>
    %lt3A_395 = arith.constant 0 : i32
    %lt3A_396 = arith.cmpi slt, %select_n3A_386, %lt3A_395 : i32
    %ne3A_397 = vector.broadcast %lt3A_396 : i1 to vector<128x1xi1>
    %ne3A_398 = vector.broadcast %ne3A_397 : vector<128x1xi1> to vector<128x1xi1>
    %ne3A_399 = arith.xori %lt3A_394, %ne3A_398 : vector<128x1xi1>
    %and3A_400 = arith.andi %ne3A_399, %ne3A_391 : vector<128x1xi1>
    %add3A_401 = vector.broadcast %select_n3A_386 : i32 to vector<128x1xi32>
    %add3A_402 = arith.addi %rem3A_388, %add3A_401 : vector<128x1xi32>
    %select_n3A_403 = arith.select %and3A_400, %add3A_402, %rem3A_388 : vector<128x1xi1>, vector<128x1xi32>
    %eq3A_404 = arith.constant 1 : i32
    %eq3A_405 = vector.broadcast %eq3A_404 : i32 to vector<128x1xi32>
    %eq3A_406 = arith.cmpi eq, %select_n3A_403, %eq3A_405 : vector<128x1xi32>
    %slice3A_407 = vector.extract_strided_slice %get3A_4 {offsets = [0, 1472], sizes = [128, 64], strides = [1, 1]} : vector<128x2560xf32> to vector<128x64xf32>
    %slice3A_408 = vector.extract_strided_slice %get3A_4 {offsets = [0, 1408], sizes = [128, 64], strides = [1, 1]} : vector<128x2560xf32> to vector<128x64xf32>
    %broadcast_in_dim3A_409 = vector.shape_cast %eq3A_406 : vector<128x1xi1> to vector<128x1xi1>
    %broadcast_in_dim3A_410 = vector.broadcast %broadcast_in_dim3A_409 : vector<128x1xi1> to vector<128x64xi1>
    %select_n3A_411 = arith.select %broadcast_in_dim3A_410, %slice3A_407, %slice3A_408 : vector<128x64xi1>, vector<128x64xf32>
    %mul3A_412 = arith.mulf %select_n3A_411, %get3A_1 : vector<128x64xf32>
    %reduce_sum3A_413 = arith.constant dense<0.000000e+00> : vector<128xf32>
    %reduce_sum3A_414 = vector.multi_reduction <add>, %mul3A_412, %reduce_sum3A_413 [1] : vector<128x64xf32> to vector<128xf32>
    %broadcast_in_dim3A_415 = vector.shape_cast %reduce_sum3A_414 : vector<128xf32> to vector<128x1xf32>
    %slice3A_416 = vector.extract_strided_slice %get3A_7 {offsets = [0, 12], sizes = [128, 1], strides = [1, 1]} : vector<128x20xi32> to vector<128x1xi32>
    %jit3A_417 = arith.constant 2 : i32
    %eq3A_418 = arith.constant 0 : i32
    %eq3A_419 = arith.cmpi eq, %jit3A_417, %eq3A_418 : i32
    %jit3A_420 = arith.constant 1 : i32
    %select_n3A_421 = arith.select %eq3A_419, %jit3A_420, %jit3A_417 : i32
    %rem3A_422 = vector.broadcast %select_n3A_421 : i32 to vector<128x1xi32>
    %rem3A_423 = arith.remsi %slice3A_416, %rem3A_422 : vector<128x1xi32>
    %ne3A_424 = arith.constant 0 : i32
    %ne3A_425 = vector.broadcast %ne3A_424 : i32 to vector<128x1xi32>
    %ne3A_426 = arith.cmpi ne, %rem3A_423, %ne3A_425 : vector<128x1xi32>
    %lt3A_427 = arith.constant 0 : i32
    %lt3A_428 = vector.broadcast %lt3A_427 : i32 to vector<128x1xi32>
    %lt3A_429 = arith.cmpi slt, %rem3A_423, %lt3A_428 : vector<128x1xi32>
    %lt3A_430 = arith.constant 0 : i32
    %lt3A_431 = arith.cmpi slt, %select_n3A_421, %lt3A_430 : i32
    %ne3A_432 = vector.broadcast %lt3A_431 : i1 to vector<128x1xi1>
    %ne3A_433 = vector.broadcast %ne3A_432 : vector<128x1xi1> to vector<128x1xi1>
    %ne3A_434 = arith.xori %lt3A_429, %ne3A_433 : vector<128x1xi1>
    %and3A_435 = arith.andi %ne3A_434, %ne3A_426 : vector<128x1xi1>
    %add3A_436 = vector.broadcast %select_n3A_421 : i32 to vector<128x1xi32>
    %add3A_437 = arith.addi %rem3A_423, %add3A_436 : vector<128x1xi32>
    %select_n3A_438 = arith.select %and3A_435, %add3A_437, %rem3A_423 : vector<128x1xi1>, vector<128x1xi32>
    %eq3A_439 = arith.constant 1 : i32
    %eq3A_440 = vector.broadcast %eq3A_439 : i32 to vector<128x1xi32>
    %eq3A_441 = arith.cmpi eq, %select_n3A_438, %eq3A_440 : vector<128x1xi32>
    %slice3A_442 = vector.extract_strided_slice %get3A_4 {offsets = [0, 1600], sizes = [128, 64], strides = [1, 1]} : vector<128x2560xf32> to vector<128x64xf32>
    %slice3A_443 = vector.extract_strided_slice %get3A_4 {offsets = [0, 1536], sizes = [128, 64], strides = [1, 1]} : vector<128x2560xf32> to vector<128x64xf32>
    %broadcast_in_dim3A_444 = vector.shape_cast %eq3A_441 : vector<128x1xi1> to vector<128x1xi1>
    %broadcast_in_dim3A_445 = vector.broadcast %broadcast_in_dim3A_444 : vector<128x1xi1> to vector<128x64xi1>
    %select_n3A_446 = arith.select %broadcast_in_dim3A_445, %slice3A_442, %slice3A_443 : vector<128x64xi1>, vector<128x64xf32>
    %mul3A_447 = arith.mulf %select_n3A_446, %get3A_1 : vector<128x64xf32>
    %reduce_sum3A_448 = arith.constant dense<0.000000e+00> : vector<128xf32>
    %reduce_sum3A_449 = vector.multi_reduction <add>, %mul3A_447, %reduce_sum3A_448 [1] : vector<128x64xf32> to vector<128xf32>
    %broadcast_in_dim3A_450 = vector.shape_cast %reduce_sum3A_449 : vector<128xf32> to vector<128x1xf32>
    %slice3A_451 = vector.extract_strided_slice %get3A_7 {offsets = [0, 13], sizes = [128, 1], strides = [1, 1]} : vector<128x20xi32> to vector<128x1xi32>
    %jit3A_452 = arith.constant 2 : i32
    %eq3A_453 = arith.constant 0 : i32
    %eq3A_454 = arith.cmpi eq, %jit3A_452, %eq3A_453 : i32
    %jit3A_455 = arith.constant 1 : i32
    %select_n3A_456 = arith.select %eq3A_454, %jit3A_455, %jit3A_452 : i32
    %rem3A_457 = vector.broadcast %select_n3A_456 : i32 to vector<128x1xi32>
    %rem3A_458 = arith.remsi %slice3A_451, %rem3A_457 : vector<128x1xi32>
    %ne3A_459 = arith.constant 0 : i32
    %ne3A_460 = vector.broadcast %ne3A_459 : i32 to vector<128x1xi32>
    %ne3A_461 = arith.cmpi ne, %rem3A_458, %ne3A_460 : vector<128x1xi32>
    %lt3A_462 = arith.constant 0 : i32
    %lt3A_463 = vector.broadcast %lt3A_462 : i32 to vector<128x1xi32>
    %lt3A_464 = arith.cmpi slt, %rem3A_458, %lt3A_463 : vector<128x1xi32>
    %lt3A_465 = arith.constant 0 : i32
    %lt3A_466 = arith.cmpi slt, %select_n3A_456, %lt3A_465 : i32
    %ne3A_467 = vector.broadcast %lt3A_466 : i1 to vector<128x1xi1>
    %ne3A_468 = vector.broadcast %ne3A_467 : vector<128x1xi1> to vector<128x1xi1>
    %ne3A_469 = arith.xori %lt3A_464, %ne3A_468 : vector<128x1xi1>
    %and3A_470 = arith.andi %ne3A_469, %ne3A_461 : vector<128x1xi1>
    %add3A_471 = vector.broadcast %select_n3A_456 : i32 to vector<128x1xi32>
    %add3A_472 = arith.addi %rem3A_458, %add3A_471 : vector<128x1xi32>
    %select_n3A_473 = arith.select %and3A_470, %add3A_472, %rem3A_458 : vector<128x1xi1>, vector<128x1xi32>
    %eq3A_474 = arith.constant 1 : i32
    %eq3A_475 = vector.broadcast %eq3A_474 : i32 to vector<128x1xi32>
    %eq3A_476 = arith.cmpi eq, %select_n3A_473, %eq3A_475 : vector<128x1xi32>
    %slice3A_477 = vector.extract_strided_slice %get3A_4 {offsets = [0, 1728], sizes = [128, 64], strides = [1, 1]} : vector<128x2560xf32> to vector<128x64xf32>
    %slice3A_478 = vector.extract_strided_slice %get3A_4 {offsets = [0, 1664], sizes = [128, 64], strides = [1, 1]} : vector<128x2560xf32> to vector<128x64xf32>
    %broadcast_in_dim3A_479 = vector.shape_cast %eq3A_476 : vector<128x1xi1> to vector<128x1xi1>
    %broadcast_in_dim3A_480 = vector.broadcast %broadcast_in_dim3A_479 : vector<128x1xi1> to vector<128x64xi1>
    %select_n3A_481 = arith.select %broadcast_in_dim3A_480, %slice3A_477, %slice3A_478 : vector<128x64xi1>, vector<128x64xf32>
    %mul3A_482 = arith.mulf %select_n3A_481, %get3A_1 : vector<128x64xf32>
    %reduce_sum3A_483 = arith.constant dense<0.000000e+00> : vector<128xf32>
    %reduce_sum3A_484 = vector.multi_reduction <add>, %mul3A_482, %reduce_sum3A_483 [1] : vector<128x64xf32> to vector<128xf32>
    %broadcast_in_dim3A_485 = vector.shape_cast %reduce_sum3A_484 : vector<128xf32> to vector<128x1xf32>
    %slice3A_486 = vector.extract_strided_slice %get3A_7 {offsets = [0, 14], sizes = [128, 1], strides = [1, 1]} : vector<128x20xi32> to vector<128x1xi32>
    %jit3A_487 = arith.constant 2 : i32
    %eq3A_488 = arith.constant 0 : i32
    %eq3A_489 = arith.cmpi eq, %jit3A_487, %eq3A_488 : i32
    %jit3A_490 = arith.constant 1 : i32
    %select_n3A_491 = arith.select %eq3A_489, %jit3A_490, %jit3A_487 : i32
    %rem3A_492 = vector.broadcast %select_n3A_491 : i32 to vector<128x1xi32>
    %rem3A_493 = arith.remsi %slice3A_486, %rem3A_492 : vector<128x1xi32>
    %ne3A_494 = arith.constant 0 : i32
    %ne3A_495 = vector.broadcast %ne3A_494 : i32 to vector<128x1xi32>
    %ne3A_496 = arith.cmpi ne, %rem3A_493, %ne3A_495 : vector<128x1xi32>
    %lt3A_497 = arith.constant 0 : i32
    %lt3A_498 = vector.broadcast %lt3A_497 : i32 to vector<128x1xi32>
    %lt3A_499 = arith.cmpi slt, %rem3A_493, %lt3A_498 : vector<128x1xi32>
    %lt3A_500 = arith.constant 0 : i32
    %lt3A_501 = arith.cmpi slt, %select_n3A_491, %lt3A_500 : i32
    %ne3A_502 = vector.broadcast %lt3A_501 : i1 to vector<128x1xi1>
    %ne3A_503 = vector.broadcast %ne3A_502 : vector<128x1xi1> to vector<128x1xi1>
    %ne3A_504 = arith.xori %lt3A_499, %ne3A_503 : vector<128x1xi1>
    %and3A_505 = arith.andi %ne3A_504, %ne3A_496 : vector<128x1xi1>
    %add3A_506 = vector.broadcast %select_n3A_491 : i32 to vector<128x1xi32>
    %add3A_507 = arith.addi %rem3A_493, %add3A_506 : vector<128x1xi32>
    %select_n3A_508 = arith.select %and3A_505, %add3A_507, %rem3A_493 : vector<128x1xi1>, vector<128x1xi32>
    %eq3A_509 = arith.constant 1 : i32
    %eq3A_510 = vector.broadcast %eq3A_509 : i32 to vector<128x1xi32>
    %eq3A_511 = arith.cmpi eq, %select_n3A_508, %eq3A_510 : vector<128x1xi32>
    %slice3A_512 = vector.extract_strided_slice %get3A_4 {offsets = [0, 1856], sizes = [128, 64], strides = [1, 1]} : vector<128x2560xf32> to vector<128x64xf32>
    %slice3A_513 = vector.extract_strided_slice %get3A_4 {offsets = [0, 1792], sizes = [128, 64], strides = [1, 1]} : vector<128x2560xf32> to vector<128x64xf32>
    %broadcast_in_dim3A_514 = vector.shape_cast %eq3A_511 : vector<128x1xi1> to vector<128x1xi1>
    %broadcast_in_dim3A_515 = vector.broadcast %broadcast_in_dim3A_514 : vector<128x1xi1> to vector<128x64xi1>
    %select_n3A_516 = arith.select %broadcast_in_dim3A_515, %slice3A_512, %slice3A_513 : vector<128x64xi1>, vector<128x64xf32>
    %mul3A_517 = arith.mulf %select_n3A_516, %get3A_1 : vector<128x64xf32>
    %reduce_sum3A_518 = arith.constant dense<0.000000e+00> : vector<128xf32>
    %reduce_sum3A_519 = vector.multi_reduction <add>, %mul3A_517, %reduce_sum3A_518 [1] : vector<128x64xf32> to vector<128xf32>
    %broadcast_in_dim3A_520 = vector.shape_cast %reduce_sum3A_519 : vector<128xf32> to vector<128x1xf32>
    %slice3A_521 = vector.extract_strided_slice %get3A_7 {offsets = [0, 15], sizes = [128, 1], strides = [1, 1]} : vector<128x20xi32> to vector<128x1xi32>
    %jit3A_522 = arith.constant 2 : i32
    %eq3A_523 = arith.constant 0 : i32
    %eq3A_524 = arith.cmpi eq, %jit3A_522, %eq3A_523 : i32
    %jit3A_525 = arith.constant 1 : i32
    %select_n3A_526 = arith.select %eq3A_524, %jit3A_525, %jit3A_522 : i32
    %rem3A_527 = vector.broadcast %select_n3A_526 : i32 to vector<128x1xi32>
    %rem3A_528 = arith.remsi %slice3A_521, %rem3A_527 : vector<128x1xi32>
    %ne3A_529 = arith.constant 0 : i32
    %ne3A_530 = vector.broadcast %ne3A_529 : i32 to vector<128x1xi32>
    %ne3A_531 = arith.cmpi ne, %rem3A_528, %ne3A_530 : vector<128x1xi32>
    %lt3A_532 = arith.constant 0 : i32
    %lt3A_533 = vector.broadcast %lt3A_532 : i32 to vector<128x1xi32>
    %lt3A_534 = arith.cmpi slt, %rem3A_528, %lt3A_533 : vector<128x1xi32>
    %lt3A_535 = arith.constant 0 : i32
    %lt3A_536 = arith.cmpi slt, %select_n3A_526, %lt3A_535 : i32
    %ne3A_537 = vector.broadcast %lt3A_536 : i1 to vector<128x1xi1>
    %ne3A_538 = vector.broadcast %ne3A_537 : vector<128x1xi1> to vector<128x1xi1>
    %ne3A_539 = arith.xori %lt3A_534, %ne3A_538 : vector<128x1xi1>
    %and3A_540 = arith.andi %ne3A_539, %ne3A_531 : vector<128x1xi1>
    %add3A_541 = vector.broadcast %select_n3A_526 : i32 to vector<128x1xi32>
    %add3A_542 = arith.addi %rem3A_528, %add3A_541 : vector<128x1xi32>
    %select_n3A_543 = arith.select %and3A_540, %add3A_542, %rem3A_528 : vector<128x1xi1>, vector<128x1xi32>
    %eq3A_544 = arith.constant 1 : i32
    %eq3A_545 = vector.broadcast %eq3A_544 : i32 to vector<128x1xi32>
    %eq3A_546 = arith.cmpi eq, %select_n3A_543, %eq3A_545 : vector<128x1xi32>
    %slice3A_547 = vector.extract_strided_slice %get3A_4 {offsets = [0, 1984], sizes = [128, 64], strides = [1, 1]} : vector<128x2560xf32> to vector<128x64xf32>
    %slice3A_548 = vector.extract_strided_slice %get3A_4 {offsets = [0, 1920], sizes = [128, 64], strides = [1, 1]} : vector<128x2560xf32> to vector<128x64xf32>
    %broadcast_in_dim3A_549 = vector.shape_cast %eq3A_546 : vector<128x1xi1> to vector<128x1xi1>
    %broadcast_in_dim3A_550 = vector.broadcast %broadcast_in_dim3A_549 : vector<128x1xi1> to vector<128x64xi1>
    %select_n3A_551 = arith.select %broadcast_in_dim3A_550, %slice3A_547, %slice3A_548 : vector<128x64xi1>, vector<128x64xf32>
    %mul3A_552 = arith.mulf %select_n3A_551, %get3A_1 : vector<128x64xf32>
    %reduce_sum3A_553 = arith.constant dense<0.000000e+00> : vector<128xf32>
    %reduce_sum3A_554 = vector.multi_reduction <add>, %mul3A_552, %reduce_sum3A_553 [1] : vector<128x64xf32> to vector<128xf32>
    %broadcast_in_dim3A_555 = vector.shape_cast %reduce_sum3A_554 : vector<128xf32> to vector<128x1xf32>
    %slice3A_556 = vector.extract_strided_slice %get3A_7 {offsets = [0, 16], sizes = [128, 1], strides = [1, 1]} : vector<128x20xi32> to vector<128x1xi32>
    %jit3A_557 = arith.constant 2 : i32
    %eq3A_558 = arith.constant 0 : i32
    %eq3A_559 = arith.cmpi eq, %jit3A_557, %eq3A_558 : i32
    %jit3A_560 = arith.constant 1 : i32
    %select_n3A_561 = arith.select %eq3A_559, %jit3A_560, %jit3A_557 : i32
    %rem3A_562 = vector.broadcast %select_n3A_561 : i32 to vector<128x1xi32>
    %rem3A_563 = arith.remsi %slice3A_556, %rem3A_562 : vector<128x1xi32>
    %ne3A_564 = arith.constant 0 : i32
    %ne3A_565 = vector.broadcast %ne3A_564 : i32 to vector<128x1xi32>
    %ne3A_566 = arith.cmpi ne, %rem3A_563, %ne3A_565 : vector<128x1xi32>
    %lt3A_567 = arith.constant 0 : i32
    %lt3A_568 = vector.broadcast %lt3A_567 : i32 to vector<128x1xi32>
    %lt3A_569 = arith.cmpi slt, %rem3A_563, %lt3A_568 : vector<128x1xi32>
    %lt3A_570 = arith.constant 0 : i32
    %lt3A_571 = arith.cmpi slt, %select_n3A_561, %lt3A_570 : i32
    %ne3A_572 = vector.broadcast %lt3A_571 : i1 to vector<128x1xi1>
    %ne3A_573 = vector.broadcast %ne3A_572 : vector<128x1xi1> to vector<128x1xi1>
    %ne3A_574 = arith.xori %lt3A_569, %ne3A_573 : vector<128x1xi1>
    %and3A_575 = arith.andi %ne3A_574, %ne3A_566 : vector<128x1xi1>
    %add3A_576 = vector.broadcast %select_n3A_561 : i32 to vector<128x1xi32>
    %add3A_577 = arith.addi %rem3A_563, %add3A_576 : vector<128x1xi32>
    %select_n3A_578 = arith.select %and3A_575, %add3A_577, %rem3A_563 : vector<128x1xi1>, vector<128x1xi32>
    %eq3A_579 = arith.constant 1 : i32
    %eq3A_580 = vector.broadcast %eq3A_579 : i32 to vector<128x1xi32>
    %eq3A_581 = arith.cmpi eq, %select_n3A_578, %eq3A_580 : vector<128x1xi32>
    %slice3A_582 = vector.extract_strided_slice %get3A_4 {offsets = [0, 2112], sizes = [128, 64], strides = [1, 1]} : vector<128x2560xf32> to vector<128x64xf32>
    %slice3A_583 = vector.extract_strided_slice %get3A_4 {offsets = [0, 2048], sizes = [128, 64], strides = [1, 1]} : vector<128x2560xf32> to vector<128x64xf32>
    %broadcast_in_dim3A_584 = vector.shape_cast %eq3A_581 : vector<128x1xi1> to vector<128x1xi1>
    %broadcast_in_dim3A_585 = vector.broadcast %broadcast_in_dim3A_584 : vector<128x1xi1> to vector<128x64xi1>
    %select_n3A_586 = arith.select %broadcast_in_dim3A_585, %slice3A_582, %slice3A_583 : vector<128x64xi1>, vector<128x64xf32>
    %mul3A_587 = arith.mulf %select_n3A_586, %get3A_1 : vector<128x64xf32>
    %reduce_sum3A_588 = arith.constant dense<0.000000e+00> : vector<128xf32>
    %reduce_sum3A_589 = vector.multi_reduction <add>, %mul3A_587, %reduce_sum3A_588 [1] : vector<128x64xf32> to vector<128xf32>
    %broadcast_in_dim3A_590 = vector.shape_cast %reduce_sum3A_589 : vector<128xf32> to vector<128x1xf32>
    %slice3A_591 = vector.extract_strided_slice %get3A_7 {offsets = [0, 17], sizes = [128, 1], strides = [1, 1]} : vector<128x20xi32> to vector<128x1xi32>
    %jit3A_592 = arith.constant 2 : i32
    %eq3A_593 = arith.constant 0 : i32
    %eq3A_594 = arith.cmpi eq, %jit3A_592, %eq3A_593 : i32
    %jit3A_595 = arith.constant 1 : i32
    %select_n3A_596 = arith.select %eq3A_594, %jit3A_595, %jit3A_592 : i32
    %rem3A_597 = vector.broadcast %select_n3A_596 : i32 to vector<128x1xi32>
    %rem3A_598 = arith.remsi %slice3A_591, %rem3A_597 : vector<128x1xi32>
    %ne3A_599 = arith.constant 0 : i32
    %ne3A_600 = vector.broadcast %ne3A_599 : i32 to vector<128x1xi32>
    %ne3A_601 = arith.cmpi ne, %rem3A_598, %ne3A_600 : vector<128x1xi32>
    %lt3A_602 = arith.constant 0 : i32
    %lt3A_603 = vector.broadcast %lt3A_602 : i32 to vector<128x1xi32>
    %lt3A_604 = arith.cmpi slt, %rem3A_598, %lt3A_603 : vector<128x1xi32>
    %lt3A_605 = arith.constant 0 : i32
    %lt3A_606 = arith.cmpi slt, %select_n3A_596, %lt3A_605 : i32
    %ne3A_607 = vector.broadcast %lt3A_606 : i1 to vector<128x1xi1>
    %ne3A_608 = vector.broadcast %ne3A_607 : vector<128x1xi1> to vector<128x1xi1>
    %ne3A_609 = arith.xori %lt3A_604, %ne3A_608 : vector<128x1xi1>
    %and3A_610 = arith.andi %ne3A_609, %ne3A_601 : vector<128x1xi1>
    %add3A_611 = vector.broadcast %select_n3A_596 : i32 to vector<128x1xi32>
    %add3A_612 = arith.addi %rem3A_598, %add3A_611 : vector<128x1xi32>
    %select_n3A_613 = arith.select %and3A_610, %add3A_612, %rem3A_598 : vector<128x1xi1>, vector<128x1xi32>
    %eq3A_614 = arith.constant 1 : i32
    %eq3A_615 = vector.broadcast %eq3A_614 : i32 to vector<128x1xi32>
    %eq3A_616 = arith.cmpi eq, %select_n3A_613, %eq3A_615 : vector<128x1xi32>
    %slice3A_617 = vector.extract_strided_slice %get3A_4 {offsets = [0, 2240], sizes = [128, 64], strides = [1, 1]} : vector<128x2560xf32> to vector<128x64xf32>
    %slice3A_618 = vector.extract_strided_slice %get3A_4 {offsets = [0, 2176], sizes = [128, 64], strides = [1, 1]} : vector<128x2560xf32> to vector<128x64xf32>
    %broadcast_in_dim3A_619 = vector.shape_cast %eq3A_616 : vector<128x1xi1> to vector<128x1xi1>
    %broadcast_in_dim3A_620 = vector.broadcast %broadcast_in_dim3A_619 : vector<128x1xi1> to vector<128x64xi1>
    %select_n3A_621 = arith.select %broadcast_in_dim3A_620, %slice3A_617, %slice3A_618 : vector<128x64xi1>, vector<128x64xf32>
    %mul3A_622 = arith.mulf %select_n3A_621, %get3A_1 : vector<128x64xf32>
    %reduce_sum3A_623 = arith.constant dense<0.000000e+00> : vector<128xf32>
    %reduce_sum3A_624 = vector.multi_reduction <add>, %mul3A_622, %reduce_sum3A_623 [1] : vector<128x64xf32> to vector<128xf32>
    %broadcast_in_dim3A_625 = vector.shape_cast %reduce_sum3A_624 : vector<128xf32> to vector<128x1xf32>
    %slice3A_626 = vector.extract_strided_slice %get3A_7 {offsets = [0, 18], sizes = [128, 1], strides = [1, 1]} : vector<128x20xi32> to vector<128x1xi32>
    %jit3A_627 = arith.constant 2 : i32
    %eq3A_628 = arith.constant 0 : i32
    %eq3A_629 = arith.cmpi eq, %jit3A_627, %eq3A_628 : i32
    %jit3A_630 = arith.constant 1 : i32
    %select_n3A_631 = arith.select %eq3A_629, %jit3A_630, %jit3A_627 : i32
    %rem3A_632 = vector.broadcast %select_n3A_631 : i32 to vector<128x1xi32>
    %rem3A_633 = arith.remsi %slice3A_626, %rem3A_632 : vector<128x1xi32>
    %ne3A_634 = arith.constant 0 : i32
    %ne3A_635 = vector.broadcast %ne3A_634 : i32 to vector<128x1xi32>
    %ne3A_636 = arith.cmpi ne, %rem3A_633, %ne3A_635 : vector<128x1xi32>
    %lt3A_637 = arith.constant 0 : i32
    %lt3A_638 = vector.broadcast %lt3A_637 : i32 to vector<128x1xi32>
    %lt3A_639 = arith.cmpi slt, %rem3A_633, %lt3A_638 : vector<128x1xi32>
    %lt3A_640 = arith.constant 0 : i32
    %lt3A_641 = arith.cmpi slt, %select_n3A_631, %lt3A_640 : i32
    %ne3A_642 = vector.broadcast %lt3A_641 : i1 to vector<128x1xi1>
    %ne3A_643 = vector.broadcast %ne3A_642 : vector<128x1xi1> to vector<128x1xi1>
    %ne3A_644 = arith.xori %lt3A_639, %ne3A_643 : vector<128x1xi1>
    %and3A_645 = arith.andi %ne3A_644, %ne3A_636 : vector<128x1xi1>
    %add3A_646 = vector.broadcast %select_n3A_631 : i32 to vector<128x1xi32>
    %add3A_647 = arith.addi %rem3A_633, %add3A_646 : vector<128x1xi32>
    %select_n3A_648 = arith.select %and3A_645, %add3A_647, %rem3A_633 : vector<128x1xi1>, vector<128x1xi32>
    %eq3A_649 = arith.constant 1 : i32
    %eq3A_650 = vector.broadcast %eq3A_649 : i32 to vector<128x1xi32>
    %eq3A_651 = arith.cmpi eq, %select_n3A_648, %eq3A_650 : vector<128x1xi32>
    %slice3A_652 = vector.extract_strided_slice %get3A_4 {offsets = [0, 2368], sizes = [128, 64], strides = [1, 1]} : vector<128x2560xf32> to vector<128x64xf32>
    %slice3A_653 = vector.extract_strided_slice %get3A_4 {offsets = [0, 2304], sizes = [128, 64], strides = [1, 1]} : vector<128x2560xf32> to vector<128x64xf32>
    %broadcast_in_dim3A_654 = vector.shape_cast %eq3A_651 : vector<128x1xi1> to vector<128x1xi1>
    %broadcast_in_dim3A_655 = vector.broadcast %broadcast_in_dim3A_654 : vector<128x1xi1> to vector<128x64xi1>
    %select_n3A_656 = arith.select %broadcast_in_dim3A_655, %slice3A_652, %slice3A_653 : vector<128x64xi1>, vector<128x64xf32>
    %mul3A_657 = arith.mulf %select_n3A_656, %get3A_1 : vector<128x64xf32>
    %reduce_sum3A_658 = arith.constant dense<0.000000e+00> : vector<128xf32>
    %reduce_sum3A_659 = vector.multi_reduction <add>, %mul3A_657, %reduce_sum3A_658 [1] : vector<128x64xf32> to vector<128xf32>
    %broadcast_in_dim3A_660 = vector.shape_cast %reduce_sum3A_659 : vector<128xf32> to vector<128x1xf32>
    %slice3A_661 = vector.extract_strided_slice %get3A_7 {offsets = [0, 19], sizes = [128, 1], strides = [1, 1]} : vector<128x20xi32> to vector<128x1xi32>
    %jit3A_662 = arith.constant 2 : i32
    %eq3A_663 = arith.constant 0 : i32
    %eq3A_664 = arith.cmpi eq, %jit3A_662, %eq3A_663 : i32
    %jit3A_665 = arith.constant 1 : i32
    %select_n3A_666 = arith.select %eq3A_664, %jit3A_665, %jit3A_662 : i32
    %rem3A_667 = vector.broadcast %select_n3A_666 : i32 to vector<128x1xi32>
    %rem3A_668 = arith.remsi %slice3A_661, %rem3A_667 : vector<128x1xi32>
    %ne3A_669 = arith.constant 0 : i32
    %ne3A_670 = vector.broadcast %ne3A_669 : i32 to vector<128x1xi32>
    %ne3A_671 = arith.cmpi ne, %rem3A_668, %ne3A_670 : vector<128x1xi32>
    %lt3A_672 = arith.constant 0 : i32
    %lt3A_673 = vector.broadcast %lt3A_672 : i32 to vector<128x1xi32>
    %lt3A_674 = arith.cmpi slt, %rem3A_668, %lt3A_673 : vector<128x1xi32>
    %lt3A_675 = arith.constant 0 : i32
    %lt3A_676 = arith.cmpi slt, %select_n3A_666, %lt3A_675 : i32
    %ne3A_677 = vector.broadcast %lt3A_676 : i1 to vector<128x1xi1>
    %ne3A_678 = vector.broadcast %ne3A_677 : vector<128x1xi1> to vector<128x1xi1>
    %ne3A_679 = arith.xori %lt3A_674, %ne3A_678 : vector<128x1xi1>
    %and3A_680 = arith.andi %ne3A_679, %ne3A_671 : vector<128x1xi1>
    %add3A_681 = vector.broadcast %select_n3A_666 : i32 to vector<128x1xi32>
    %add3A_682 = arith.addi %rem3A_668, %add3A_681 : vector<128x1xi32>
    %select_n3A_683 = arith.select %and3A_680, %add3A_682, %rem3A_668 : vector<128x1xi1>, vector<128x1xi32>
    %eq3A_684 = arith.constant 1 : i32
    %eq3A_685 = vector.broadcast %eq3A_684 : i32 to vector<128x1xi32>
    %eq3A_686 = arith.cmpi eq, %select_n3A_683, %eq3A_685 : vector<128x1xi32>
    %slice3A_687 = vector.extract_strided_slice %get3A_4 {offsets = [0, 2496], sizes = [128, 64], strides = [1, 1]} : vector<128x2560xf32> to vector<128x64xf32>
    %slice3A_688 = vector.extract_strided_slice %get3A_4 {offsets = [0, 2432], sizes = [128, 64], strides = [1, 1]} : vector<128x2560xf32> to vector<128x64xf32>
    %broadcast_in_dim3A_689 = vector.shape_cast %eq3A_686 : vector<128x1xi1> to vector<128x1xi1>
    %broadcast_in_dim3A_690 = vector.broadcast %broadcast_in_dim3A_689 : vector<128x1xi1> to vector<128x64xi1>
    %select_n3A_691 = arith.select %broadcast_in_dim3A_690, %slice3A_687, %slice3A_688 : vector<128x64xi1>, vector<128x64xf32>
    %mul3A_692 = arith.mulf %select_n3A_691, %get3A_1 : vector<128x64xf32>
    %reduce_sum3A_693 = arith.constant dense<0.000000e+00> : vector<128xf32>
    %reduce_sum3A_694 = vector.multi_reduction <add>, %mul3A_692, %reduce_sum3A_693 [1] : vector<128x64xf32> to vector<128xf32>
    %broadcast_in_dim3A_695 = vector.shape_cast %reduce_sum3A_694 : vector<128xf32> to vector<128x1xf32>
    %concatenate3A = tpu.concatenate %broadcast_in_dim3A_30, %broadcast_in_dim3A_65, %broadcast_in_dim3A_100, %broadcast_in_dim3A_135, %broadcast_in_dim3A_170, %broadcast_in_dim3A_205, %broadcast_in_dim3A_240, %broadcast_in_dim3A_275, %broadcast_in_dim3A_310, %broadcast_in_dim3A_345, %broadcast_in_dim3A_380, %broadcast_in_dim3A_415, %broadcast_in_dim3A_450, %broadcast_in_dim3A_485, %broadcast_in_dim3A_520, %broadcast_in_dim3A_555, %broadcast_in_dim3A_590, %broadcast_in_dim3A_625, %broadcast_in_dim3A_660, %broadcast_in_dim3A_695 in 1 : vector<128x1xf32>, vector<128x1xf32>, vector<128x1xf32>, vector<128x1xf32>, vector<128x1xf32>, vector<128x1xf32>, vector<128x1xf32>, vector<128x1xf32>, vector<128x1xf32>, vector<128x1xf32>, vector<128x1xf32>, vector<128x1xf32>, vector<128x1xf32>, vector<128x1xf32>, vector<128x1xf32>, vector<128x1xf32>, vector<128x1xf32>, vector<128x1xf32>, vector<128x1xf32>, vector<128x1xf32> -> vector<128x20xf32>
    %div3A = arith.constant 8.000000e+00 : f32
    %div3A_696 = vector.broadcast %div3A : f32 to vector<128x20xf32>
    %div3A_697 = arith.divf %concatenate3A, %div3A_696 : vector<128x20xf32>
    %iota3A = tpu.iota {dimensions = array<i32: 1>} : vector<128x20xi32>
    %iota3A_698 = tpu.iota {dimensions = array<i32: 1>} : vector<128x10xi32>
    %broadcast_in_dim3A_699 = arith.constant 0.000000e+00 : f32
    %broadcast_in_dim3A_700 = vector.broadcast %broadcast_in_dim3A_699 : f32 to vector<128x10xf32>
    %broadcast_in_dim3A_701 = arith.constant 0 : i32
    %broadcast_in_dim3A_702 = vector.broadcast %broadcast_in_dim3A_701 : i32 to vector<128x10xi32>
    %scan3A = arith.constant 0 : i32
    %scan3A_703 = arith.constant 10 : i32
    %scan3A_704 = arith.addi %scan3A, %scan3A_703 : i32
    %scan3A_705 = arith.constant 1 : i32
    %scan3A_706:3 = scf.for %scan3A_720 = %scan3A to %scan3A_704 step %scan3A_705 iter_args(%scan3A_721 = %div3A_697, %scan3A_722 = %broadcast_in_dim3A_700, %scan3A_723 = %broadcast_in_dim3A_702) -> (vector<128x20xf32>, vector<128x10xf32>, vector<128x10xi32>)  : i32 {
      %reduce_max3A = arith.constant dense<0xFF800000> : vector<128xf32>
      %reduce_max3A_724 = vector.multi_reduction <maximumf>, %scan3A_721, %reduce_max3A [1] : vector<128x20xf32> to vector<128xf32>
      %broadcast_in_dim3A_725 = vector.shape_cast %reduce_max3A_724 : vector<128xf32> to vector<128x1xf32>
      %eq3A_726 = vector.broadcast %broadcast_in_dim3A_725 : vector<128x1xf32> to vector<128x20xf32>
      %eq3A_727 = arith.cmpf oeq, %scan3A_721, %eq3A_726 : vector<128x20xf32>
      %jit3A_728 = arith.constant 2147483647 : i32
      %broadcast_in_dim3A_729 = vector.broadcast %jit3A_728 : i32 to vector<128x20xi32>
      %select_n3A_730 = arith.select %eq3A_727, %iota3A, %broadcast_in_dim3A_729 : vector<128x20xi1>, vector<128x20xi32>
      %reduce_min3A = arith.constant dense<2147483647> : vector<128xi32>
      %reduce_min3A_731 = vector.multi_reduction <minsi>, %select_n3A_730, %reduce_min3A [1] : vector<128x20xi32> to vector<128xi32>
      %broadcast_in_dim3A_732 = vector.shape_cast %reduce_min3A_731 : vector<128xi32> to vector<128x1xi32>
      %eq3A_733 = vector.broadcast %broadcast_in_dim3A_732 : vector<128x1xi32> to vector<128x20xi32>
      %eq3A_734 = arith.cmpi eq, %iota3A, %eq3A_733 : vector<128x20xi32>
      %jit3A_735 = arith.constant 2147483647 : i32
      %broadcast_in_dim3A_736 = vector.broadcast %jit3A_735 : i32 to vector<128x20xi32>
      %select_n3A_737 = arith.select %eq3A_734, %get3A_7, %broadcast_in_dim3A_736 : vector<128x20xi1>, vector<128x20xi32>
      %reduce_min3A_738 = arith.constant dense<2147483647> : vector<128xi32>
      %reduce_min3A_739 = vector.multi_reduction <minsi>, %select_n3A_737, %reduce_min3A_738 [1] : vector<128x20xi32> to vector<128xi32>
      %broadcast_in_dim3A_740 = vector.shape_cast %reduce_min3A_739 : vector<128xi32> to vector<128x1xi32>
      %eq3A_741 = vector.broadcast %scan3A_720 : i32 to vector<128x10xi32>
      %eq3A_742 = arith.cmpi eq, %iota3A_698, %eq3A_741 : vector<128x10xi32>
      %broadcast_in_dim3A_743 = vector.shape_cast %broadcast_in_dim3A_725 : vector<128x1xf32> to vector<128x1xf32>
      %broadcast_in_dim3A_744 = vector.broadcast %broadcast_in_dim3A_743 : vector<128x1xf32> to vector<128x10xf32>
      %select_n3A_745 = arith.select %eq3A_742, %broadcast_in_dim3A_744, %scan3A_722 : vector<128x10xi1>, vector<128x10xf32>
      %eq3A_746 = vector.broadcast %scan3A_720 : i32 to vector<128x10xi32>
      %eq3A_747 = arith.cmpi eq, %iota3A_698, %eq3A_746 : vector<128x10xi32>
      %broadcast_in_dim3A_748 = vector.shape_cast %broadcast_in_dim3A_740 : vector<128x1xi32> to vector<128x1xi32>
      %broadcast_in_dim3A_749 = vector.broadcast %broadcast_in_dim3A_748 : vector<128x1xi32> to vector<128x10xi32>
      %select_n3A_750 = arith.select %eq3A_747, %broadcast_in_dim3A_749, %scan3A_723 : vector<128x10xi1>, vector<128x10xi32>
      %eq3A_751 = vector.broadcast %broadcast_in_dim3A_732 : vector<128x1xi32> to vector<128x20xi32>
      %eq3A_752 = arith.cmpi eq, %iota3A, %eq3A_751 : vector<128x20xi32>
      %jit3A_753 = arith.constant 0xFF800000 : f32
      %broadcast_in_dim3A_754 = vector.broadcast %jit3A_753 : f32 to vector<128x20xf32>
      %select_n3A_755 = arith.select %eq3A_752, %broadcast_in_dim3A_754, %scan3A_721 : vector<128x20xi1>, vector<128x20xf32>
      scf.yield %select_n3A_755, %select_n3A_745, %select_n3A_750 : vector<128x20xf32>, vector<128x10xf32>, vector<128x10xi32>
    }
    %scan3A_707 = arith.constant 10 : i32
    %slice3A_708 = vector.extract_strided_slice %scan3A_706#1 {offsets = [0, 0], sizes = [128, 1], strides = [1, 1]} : vector<128x10xf32> to vector<128x1xf32>
    %sub3A = vector.broadcast %slice3A_708 : vector<128x1xf32> to vector<128x10xf32>
    %sub3A_709 = arith.subf %scan3A_706#1, %sub3A : vector<128x10xf32>
    %exp3A = math.exp %sub3A_709 : vector<128x10xf32>
    %reduce_sum3A_710 = arith.constant dense<0.000000e+00> : vector<128xf32>
    %reduce_sum3A_711 = vector.multi_reduction <add>, %exp3A, %reduce_sum3A_710 [1] : vector<128x10xf32> to vector<128xf32>
    %broadcast_in_dim3A_712 = vector.shape_cast %reduce_sum3A_711 : vector<128xf32> to vector<128x1xf32>
    %div3A_713 = vector.broadcast %broadcast_in_dim3A_712 : vector<128x1xf32> to vector<128x10xf32>
    %div3A_714 = arith.divf %exp3A, %div3A_713 : vector<128x10xf32>
    %swap3A = arith.constant 0 : index
    %swap3A_715 = arith.constant 0 : index
    %swap3A_716 = vector.load %arg4[%swap3A, %swap3A_715] : memref<128x10xf32, #tpu.memory_space<vmem>>, vector<128x10xf32>
    tpu.vector_store %arg4[%swap3A, %swap3A_715], %div3A_714 {strides = array<i32>} : memref<128x10xf32, #tpu.memory_space<vmem>>, vector<128x10xf32>,
    %swap3A_717 = arith.constant 0 : index
    %swap3A_718 = arith.constant 0 : index
    %swap3A_719 = vector.load %arg5[%swap3A_717, %swap3A_718] : memref<128x10xi32, #tpu.memory_space<vmem>>, vector<128x10xi32>
    tpu.vector_store %arg5[%swap3A_717, %swap3A_718], %scan3A_706#2 {strides = array<i32>} : memref<128x10xi32, #tpu.memory_space<vmem>>, vector<128x10xi32>,
    return
  }
  func.func @transform_0(%arg0: i32) -> (i32, i32) {
    %c0_i32 = arith.constant 0 : i32
    %c0_i32_0 = arith.constant 0 : i32
    return %arg0, %c0_i32 : i32, i32
  }
  func.func @transform_1(%arg0: i32) -> (i32, i32) {
    %c0_i32 = arith.constant 0 : i32
    %c0_i32_0 = arith.constant 0 : i32
    return %arg0, %c0_i32 : i32, i32
  }
  func.func @transform_2(%arg0: i32) -> (i32, i32) {
    %c0_i32 = arith.constant 0 : i32
    %c0_i32_0 = arith.constant 0 : i32
    return %arg0, %c0_i32 : i32, i32
  }
  func.func @transform_3(%arg0: i32) -> (i32, i32) {
    %c0_i32 = arith.constant 0 : i32
    %c0_i32_0 = arith.constant 0 : i32
    return %arg0, %c0_i32 : i32, i32
  }
  func.func @transform_4(%arg0: i32) -> (i32, i32) {
    %c0_i32 = arith.constant 0 : i32
    %c0_i32_0 = arith.constant 0 : i32
    return %arg0, %c0_i32 : i32, i32
  }
}

module attributes {stable_mosaic.version = 14 : i64} {
  func.func @_combine_body(%arg0: i32, %arg1: memref<128x2560xf32, #tpu.memory_space<vmem>>, %arg2: memref<128x10xf32, #tpu.memory_space<vmem>>, %arg3: memref<128x256xf32, #tpu.memory_space<vmem>>) attributes {dimension_semantics = [#tpu.dimension_semantics<arbitrary>], iteration_bounds = array<i64: 4>, scalar_prefetch = 0 : i64, scratch_operands = 0 : i64, tpu.core_type = #tpu.core_type<tc>, window_params = [{transform_indices = @transform_0, window_bounds = array<i64: 128, 2560>}, {transform_indices = @transform_1, window_bounds = array<i64: 128, 10>}, {transform_indices = @transform_2, window_bounds = array<i64: 128, 256>}]} {
    %get3A = arith.constant 0 : index
    %get3A_0 = arith.constant 0 : index
    %get3A_1 = vector.load %arg1[%get3A, %get3A_0] : memref<128x2560xf32, #tpu.memory_space<vmem>>, vector<128x2560xf32>
    %get3A_2 = arith.constant 0 : index
    %get3A_3 = arith.constant 0 : index
    %get3A_4 = vector.load %arg2[%get3A_2, %get3A_3] : memref<128x10xf32, #tpu.memory_space<vmem>>, vector<128x10xf32>
    %broadcast_in_dim3A = arith.constant 0.000000e+00 : f32
    %broadcast_in_dim3A_5 = vector.broadcast %broadcast_in_dim3A : f32 to vector<128x256xf32>
    %slice3A = vector.extract_strided_slice %get3A_1 {offsets = [0, 0], sizes = [128, 256], strides = [1, 1]} : vector<128x2560xf32> to vector<128x256xf32>
    %slice3A_6 = vector.extract_strided_slice %get3A_4 {offsets = [0, 0], sizes = [128, 1], strides = [1, 1]} : vector<128x10xf32> to vector<128x1xf32>
    %mul3A = vector.broadcast %slice3A_6 : vector<128x1xf32> to vector<128x256xf32>
    %mul3A_7 = arith.mulf %slice3A, %mul3A : vector<128x256xf32>
    %add3A = arith.addf %broadcast_in_dim3A_5, %mul3A_7 : vector<128x256xf32>
    %slice3A_8 = vector.extract_strided_slice %get3A_1 {offsets = [0, 256], sizes = [128, 256], strides = [1, 1]} : vector<128x2560xf32> to vector<128x256xf32>
    %slice3A_9 = vector.extract_strided_slice %get3A_4 {offsets = [0, 1], sizes = [128, 1], strides = [1, 1]} : vector<128x10xf32> to vector<128x1xf32>
    %mul3A_10 = vector.broadcast %slice3A_9 : vector<128x1xf32> to vector<128x256xf32>
    %mul3A_11 = arith.mulf %slice3A_8, %mul3A_10 : vector<128x256xf32>
    %add3A_12 = arith.addf %add3A, %mul3A_11 : vector<128x256xf32>
    %slice3A_13 = vector.extract_strided_slice %get3A_1 {offsets = [0, 512], sizes = [128, 256], strides = [1, 1]} : vector<128x2560xf32> to vector<128x256xf32>
    %slice3A_14 = vector.extract_strided_slice %get3A_4 {offsets = [0, 2], sizes = [128, 1], strides = [1, 1]} : vector<128x10xf32> to vector<128x1xf32>
    %mul3A_15 = vector.broadcast %slice3A_14 : vector<128x1xf32> to vector<128x256xf32>
    %mul3A_16 = arith.mulf %slice3A_13, %mul3A_15 : vector<128x256xf32>
    %add3A_17 = arith.addf %add3A_12, %mul3A_16 : vector<128x256xf32>
    %slice3A_18 = vector.extract_strided_slice %get3A_1 {offsets = [0, 768], sizes = [128, 256], strides = [1, 1]} : vector<128x2560xf32> to vector<128x256xf32>
    %slice3A_19 = vector.extract_strided_slice %get3A_4 {offsets = [0, 3], sizes = [128, 1], strides = [1, 1]} : vector<128x10xf32> to vector<128x1xf32>
    %mul3A_20 = vector.broadcast %slice3A_19 : vector<128x1xf32> to vector<128x256xf32>
    %mul3A_21 = arith.mulf %slice3A_18, %mul3A_20 : vector<128x256xf32>
    %add3A_22 = arith.addf %add3A_17, %mul3A_21 : vector<128x256xf32>
    %slice3A_23 = vector.extract_strided_slice %get3A_1 {offsets = [0, 1024], sizes = [128, 256], strides = [1, 1]} : vector<128x2560xf32> to vector<128x256xf32>
    %slice3A_24 = vector.extract_strided_slice %get3A_4 {offsets = [0, 4], sizes = [128, 1], strides = [1, 1]} : vector<128x10xf32> to vector<128x1xf32>
    %mul3A_25 = vector.broadcast %slice3A_24 : vector<128x1xf32> to vector<128x256xf32>
    %mul3A_26 = arith.mulf %slice3A_23, %mul3A_25 : vector<128x256xf32>
    %add3A_27 = arith.addf %add3A_22, %mul3A_26 : vector<128x256xf32>
    %slice3A_28 = vector.extract_strided_slice %get3A_1 {offsets = [0, 1280], sizes = [128, 256], strides = [1, 1]} : vector<128x2560xf32> to vector<128x256xf32>
    %slice3A_29 = vector.extract_strided_slice %get3A_4 {offsets = [0, 5], sizes = [128, 1], strides = [1, 1]} : vector<128x10xf32> to vector<128x1xf32>
    %mul3A_30 = vector.broadcast %slice3A_29 : vector<128x1xf32> to vector<128x256xf32>
    %mul3A_31 = arith.mulf %slice3A_28, %mul3A_30 : vector<128x256xf32>
    %add3A_32 = arith.addf %add3A_27, %mul3A_31 : vector<128x256xf32>
    %slice3A_33 = vector.extract_strided_slice %get3A_1 {offsets = [0, 1536], sizes = [128, 256], strides = [1, 1]} : vector<128x2560xf32> to vector<128x256xf32>
    %slice3A_34 = vector.extract_strided_slice %get3A_4 {offsets = [0, 6], sizes = [128, 1], strides = [1, 1]} : vector<128x10xf32> to vector<128x1xf32>
    %mul3A_35 = vector.broadcast %slice3A_34 : vector<128x1xf32> to vector<128x256xf32>
    %mul3A_36 = arith.mulf %slice3A_33, %mul3A_35 : vector<128x256xf32>
    %add3A_37 = arith.addf %add3A_32, %mul3A_36 : vector<128x256xf32>
    %slice3A_38 = vector.extract_strided_slice %get3A_1 {offsets = [0, 1792], sizes = [128, 256], strides = [1, 1]} : vector<128x2560xf32> to vector<128x256xf32>
    %slice3A_39 = vector.extract_strided_slice %get3A_4 {offsets = [0, 7], sizes = [128, 1], strides = [1, 1]} : vector<128x10xf32> to vector<128x1xf32>
    %mul3A_40 = vector.broadcast %slice3A_39 : vector<128x1xf32> to vector<128x256xf32>
    %mul3A_41 = arith.mulf %slice3A_38, %mul3A_40 : vector<128x256xf32>
    %add3A_42 = arith.addf %add3A_37, %mul3A_41 : vector<128x256xf32>
    %slice3A_43 = vector.extract_strided_slice %get3A_1 {offsets = [0, 2048], sizes = [128, 256], strides = [1, 1]} : vector<128x2560xf32> to vector<128x256xf32>
    %slice3A_44 = vector.extract_strided_slice %get3A_4 {offsets = [0, 8], sizes = [128, 1], strides = [1, 1]} : vector<128x10xf32> to vector<128x1xf32>
    %mul3A_45 = vector.broadcast %slice3A_44 : vector<128x1xf32> to vector<128x256xf32>
    %mul3A_46 = arith.mulf %slice3A_43, %mul3A_45 : vector<128x256xf32>
    %add3A_47 = arith.addf %add3A_42, %mul3A_46 : vector<128x256xf32>
    %slice3A_48 = vector.extract_strided_slice %get3A_1 {offsets = [0, 2304], sizes = [128, 256], strides = [1, 1]} : vector<128x2560xf32> to vector<128x256xf32>
    %slice3A_49 = vector.extract_strided_slice %get3A_4 {offsets = [0, 9], sizes = [128, 1], strides = [1, 1]} : vector<128x10xf32> to vector<128x1xf32>
    %mul3A_50 = vector.broadcast %slice3A_49 : vector<128x1xf32> to vector<128x256xf32>
    %mul3A_51 = arith.mulf %slice3A_48, %mul3A_50 : vector<128x256xf32>
    %add3A_52 = arith.addf %add3A_47, %mul3A_51 : vector<128x256xf32>
    %swap3A = arith.constant 0 : index
    %swap3A_53 = arith.constant 0 : index
    %swap3A_54 = vector.load %arg3[%swap3A, %swap3A_53] : memref<128x256xf32, #tpu.memory_space<vmem>>, vector<128x256xf32>
    tpu.vector_store %arg3[%swap3A, %swap3A_53], %add3A_52 {strides = array<i32>} : memref<128x256xf32, #tpu.memory_space<vmem>>, vector<128x256xf32>,
    return
  }
  func.func @transform_0(%arg0: i32) -> (i32, i32) {
    %c0_i32 = arith.constant 0 : i32
    %c0_i32_0 = arith.constant 0 : i32
    return %arg0, %c0_i32 : i32, i32
  }
  func.func @transform_1(%arg0: i32) -> (i32, i32) {
    %c0_i32 = arith.constant 0 : i32
    %c0_i32_0 = arith.constant 0 : i32
    return %arg0, %c0_i32 : i32, i32
  }
  func.func @transform_2(%arg0: i32) -> (i32, i32) {
    %c0_i32 = arith.constant 0 : i32
    %c0_i32_0 = arith.constant 0 : i32
    return %arg0, %c0_i32 : i32, i32
  }
}

</mosaic_0001>

<sc_bundles>
// kernel: kernel.12.cloned.1.call-start
scs
__scs_entry_jumppad:
0x0: {  	(pc) =	sbr.rel $0x88, $3  }
0x1: {  	(tag) =	ssettag $0x0;
	lr =	simm.s32 $0x1  }
0x2: {  	[smem:$0x3F9B] =	sst lr;
	_ =	strace $0xD0000000  }
0x3: {  	_ = 	snop  }
0x4: {  	_ = 	snop  }
0x5: {  	_ = 	snop  }
0x6: {  	_ = 	snop  }
0x7: {  	_ = 	snop  }
__scs_overlays_trampoline_lowered:
0x8: {  	[smem:$0x3FAA] =	sst s0  }
0x9: {  	[smem:$0x3FAB] =	sst s1  }
0xa: {  	[smem:$0x3FAC] =	sst s2  }
0xb: {  	[smem:$0x3FAD] =	sst s3  }
0xc: {  	[smem:$0x3FAE] =	sst s4  }
0xd: {  	[smem:$0x3FAF] =	sst s5  }
0xe: {  	[smem:$0x3FB0] =	sst s6  }
0xf: {  	[smem:$0x3FB1] =	sst s7  }
0x10: {  	[smem:$0x3FB2] =	sst s8  }
0x11: {  	[smem:$0x3FB3] =	sst s9;
	s0 =	simm.s32 @!p0 $0x0  }
0x12: {  	s1 =	sld [smem:$0x3F99];
	s0 =	simm.s32 @p0 $0x1  }
0x13: {  	[smem:$0x3FB4] =	sst s0;
	s0 =	simm.s32 @!p1 $0x0  }
0x14: {  	s2 =	sld [smem:$0x3F98];
	s0 =	simm.s32 @p1 $0x1  }
0x15: {  	[smem:$0x3FB5] =	sst s0;
	s0 =	simm.s32 @!p2 $0x0  }
0x16: {  	s3 =	sld [smem:$0x3FDB];
	s0 =	simm.s32 @p2 $0x1  }
0x17: {  	s4 =	simm.s32 $0x1BF5;
	[smem:$0x3FB7] =	sst s0  }
0x18: {  	s0 =	sld [smem:$0x3F9A];
	_ =	swait.ge [sflag:s4], $0x0  }
0x19: {  	s7 =	sld [smem:$0x3F9B]  }
0x1a: {  	s8 =	sadd.s32 $0xFFFFE003, lr  }
0x1b: {  	s9 =	sadd.s32 $0xFFFFFEF7, lr;
	s5 =	simm.s32 $0xFFFFFFFF;
	p2 =	slt.u32 s8, $0xFFFFF086  }
0x1c: {  	p1 =	slt.u32 s9, $0xF7A;
	s5 =	simm.s32 @!p2 $0x0  }
0x1d: {  	s5 =	simm.s32 @p1 $0x1;
	p0 =	seq.s32 s7, s2  }
0x1e: {  	s7 =	smul.u32 @!p0 $0xF7A, s2;
	p2 =	seq.s32 @!p0 s5, $0x0  }
0x1f: {  	s9 =	smul.u32 $0xF7A, s1;
	s8 =	simm.s32 @!p0 $0x1BF5;
	p2 =	por !p2, p0  }
0x20: {  	[sflag:s8] =	ssyncset.s32 @!p0 $0xFFFFF086;
	s6 =	sadd.s32 @!p0 s3, s7;
	s7 =	simm.s32 @!p0 $0x108  }
0x21: {  	s3 =	sadd.s32 s3, s9;
	s6 =	sadd.s32 @!p0 $0x88, s6;
	s7 =	simm.s32 @p2 $0x1082  }
0x22: {  	[simem:s7], [sflag:s8] =	dma.local @!p0 [hbm:s6], $0xF7A  }
0x23: {  	s9 =	sor.u32 $0xD0000000, s2;
	s6 =	simm.s32 $0x108;
	_ =	swait.ge @!p0 [sflag:s8], $0x0  }
0x24: {  	s3 =	sadd.s32 $0x88, s3;
	s6 =	simm.s32 @!p1 $0x1082;
	[sflag:s4] =	ssyncset.s32 $0xFFFFF086  }
0x25: {  	[simem:s6], [sflag:s4] =	dma.local [hbm:s3], $0xF7A  }
0x26: {  	[smem:$0x3F9B] =	sst s1;
	(tag) =	ssettag s2;
	_ =	strace s9  }
0x27: {  	s1 =	sld [smem:$0x3FAB]  }
0x28: {  	s2 =	sld [smem:$0x3FAC]  }
0x29: {  	s4 =	sld [smem:$0x3FAE]  }
0x2a: {  	p0 =	seq.s32 s5, $0x0;
	s5 =	sld [smem:$0x3FAF]  }
0x2b: {  	s6 =	sld [smem:$0x3FB0]  }
0x2c: {  	s7 =	sld [smem:$0x3FB1]  }
0x2d: {  	s3 =	simm.s32 $0x108;
	s8 =	sld [smem:$0x3FB2]  }
0x2e: {  	s3 =	simm.s32 @!p0 $0x1082;
	s9 =	sld [smem:$0x3FB3]  }
0x2f: {  	lr =	sadd.s32 s0, s3;
	s0 =	sld [smem:$0x3FAA]  }
0x30: {  	s3 =	sld [smem:$0x3FAD]  }
0x31: {  	[smem:$0x3FB6] =	sst s10  }
0x32: {  	s10 =	sld [smem:$0x3FB4];
	_ =	sdelay $0x3  }
0x33: {  	p0 =	seq.s32 s10, $0x1;
	s10 =	sld [smem:$0x3FB6];
	_ =	sdelay $0x3  }
0x34: {  	[smem:$0x3FB6] =	sst s10  }
0x35: {  	s10 =	sld [smem:$0x3FB5];
	_ =	sdelay $0x3  }
0x36: {  	p1 =	seq.s32 s10, $0x1;
	s10 =	sld [smem:$0x3FB6];
	_ =	sdelay $0x3  }
0x37: {  	[smem:$0x3FB6] =	sst s10  }
0x38: {  	s10 =	sld [smem:$0x3FB7]  }
0x39: {  	_ = 	snop;
	(pc) =	sbr.ind lr, $3  }
0x3a: {  	_ = 	snop  }
0x3b: {  	_ = 	snop  }
0x3c: {  	p2 =	seq.s32 s10, $0x1;
	s10 =	sld [smem:$0x3FB6]  }
0x3d: {  	_ =	shalt  }
0x3e: {  	_ =	shalt  }
0x3f: {  	_ =	shalt  }
0x40: {  	_ =	shalt  }
0x41: {  	_ =	shalt  }
0x42: {  	_ =	shalt  }
0x43: {  	_ =	shalt  }
0x44: {  	_ =	shalt  }
0x45: {  	_ =	shalt  }
0x46: {  	_ =	shalt  }
0x47: {  	_ =	shalt  }
0x48: {  	_ =	shalt  }
0x49: {  	_ =	shalt  }
0x4a: {  	_ =	shalt  }
0x4b: {  	_ =	shalt  }
0x4c: {  	_ =	shalt  }
0x4d: {  	_ =	shalt  }
0x4e: {  	_ =	shalt  }
0x4f: {  	_ =	shalt  }
0x50: {  	_ =	shalt  }
0x51: {  	_ =	shalt  }
0x52: {  	_ =	shalt  }
0x53: {  	_ =	shalt  }
0x54: {  	_ =	shalt  }
0x55: {  	_ =	shalt  }
0x56: {  	_ =	shalt  }
0x57: {  	_ =	shalt  }
0x58: {  	_ =	shalt  }
0x59: {  	_ =	shalt  }
0x5a: {  	_ =	shalt  }
0x5b: {  	_ =	shalt  }
0x5c: {  	_ =	shalt  }
0x5d: {  	_ =	shalt  }
0x5e: {  	_ =	shalt  }
0x5f: {  	_ =	shalt  }
0x60: {  	_ =	shalt  }
0x61: {  	_ =	shalt  }
0x62: {  	_ =	shalt  }
0x63: {  	_ =	shalt  }
0x64: {  	_ =	shalt  }
0x65: {  	_ =	shalt  }
0x66: {  	_ =	shalt  }
0x67: {  	_ =	shalt  }
0x68: {  	_ =	shalt  }
0x69: {  	_ =	shalt  }
0x6a: {  	_ =	shalt  }
0x6b: {  	_ =	shalt  }
0x6c: {  	_ =	shalt  }
0x6d: {  	_ =	shalt  }
0x6e: {  	_ =	shalt  }
0x6f: {  	_ =	shalt  }
0x70: {  	_ =	shalt  }
0x71: {  	_ =	shalt  }
0x72: {  	_ =	shalt  }
0x73: {  	_ =	shalt  }
0x74: {  	_ =	shalt  }
0x75: {  	_ =	shalt  }
0x76: {  	_ =	shalt  }
0x77: {  	_ =	shalt  }
0x78: {  	_ =	shalt  }
0x79: {  	_ =	shalt  }
0x7a: {  	_ =	shalt  }
0x7b: {  	_ =	shalt  }
0x7c: {  	_ =	shalt  }
0x7d: {  	_ =	shalt  }
0x7e: {  	_ =	shalt  }
0x7f: {  	_ =	shalt  }
0x80: {  	_ =	shalt  }
0x81: {  	_ =	shalt  }
0x82: {  	_ =	shalt  }
0x83: {  	_ =	shalt  }
0x84: {  	_ =	shalt  }
0x85: {  	_ =	shalt  }
0x86: {  	_ =	shalt  }
0x87: {  	_ =	shalt  }
.Lfunc_end0:
.L_simem_size_0:
called_computation.1_lowered:
.L_overlay_start_0:
0x88: {  	s2 =	sld [smem:$0x3FD9]  }
0x89: {  	s3 =	sld [smem:$0x3FFE];
	_ =	sdelay $0x1  }
0x8a: {  	s1 =	srdreg.scid  }
0x8b: {  	s0 =	sand.u32 $0x1, s1  }
0x8c: {  	s14 =	sshll.u32 s0, $0xA;
	s2 =	sadd.s32 s3, s2  }
0x8d: {  	s2 =	sadd.s32 s2, s14  }
0x8e: {  	[smem:$0x3FC2] =	sst s2  }
0x8f: {  	_ = 	snop  }
0x90: {  	s2 =	sld [smem:$0x3FD0];
	_ =	sdelay $0x2  }
0x91: {  	s15 =	simm.s32 $0xA;
	s4 =	simm.s32 $0x10  }
0x92: {  	[smem:s4], [sflag:s15] =	dma.local [hbm:s2], $0x1  }
0x93: {  	_ =	swait.eq [sflag:s15], $0x1  }
0x94: {  	[sflag:s15] =	ssyncset.done $0x0  }
0x95: {  	[sflag:s15] =	ssyncadd.s32 $0xFFFFFFFF  }
0x96: {  	s16 =	sld [smem:$0x12];
	(tm) =	ssettm $0x1  }
0x97: {  	s17 =	sld [smem:$0x3FFB];
	_ =	sdelay $0x3  }
0x98: {  	_ =	strace s17  }
0x99: {  	s3 =	sld [smem:$0x3FFC];
	_ =	sdelay $0x3  }
0x9a: {  	_ =	strace s3  }
0x9b: {  	s3 =	sld [smem:$0x3FFD];
	_ =	sdelay $0x3  }
0x9c: {  	_ =	strace s3  }
0x9d: {  	_ =	strace $0x8FFFFFFF  }
0x9e: {  	s18 =	sld [smem:$0x3FDB];
	_ =	sdelay $0x1  }
0x9f: {  	s19 =	simm.s32 $_scs_section_size  }
0xa0: {  	s5 =	simm.s32 $_size__tile_overlayer_lowered;
	s6 =	simm.s32 $_tile_overlayer_lowered  }
0xa1: {  	s22 =	simm.s32 $0x1BFF;
	s21 =	sshll.u32 s6, $0x1;
	s3 =	sadd.s32 s19, s18  }
0xa2: {  	s7 =	simm.s32 $0x0;
	s20 =	sshll.u32 s5, $0x1;
	s5 =	sadd.s32 s21, s3  }
0xa3: {  	[timem:s7], [sflag:s22] =	dma.local [hbm:s5], s20  }
0xa4: {  	_ =	swait.ge [sflag:s22], s20  }
0xa5: {  	s4 =	ssub.s32 $0x0, s20;
	[sflag:s22] =	ssyncset.done $0x0  }
0xa6: {  	[sflag:s22] =	ssyncadd.s32 s4;
	_ =	sdelay $0x1  }
0xa7: {  	s23 =	simm.s32 $0x1B8B  }
0xa8: {  	_ =	swait.ge [sflag:s23], $0x1  }
0xa9: {  	[sflag:s23] =	ssyncset.done $0x0  }
0xaa: {  	s25 =	simm.s32 $0x1B8E;
	s24 =	sld [smem:$0x3FFE];
	[sflag:s23] =	ssyncadd.s32 $0xFFFFFFFF  }
0xab: {  	s26 =	simm.s32 $execute0_lowered;
	[smem:$0x3FD2] =	sst s25  }
0xac: {  	s5 =	sshll.u32 s26, $0x1;
	_ =	strace $0x80000049;
	[dreg:$0x1] =	wrdreg $0xFFFFFFFF  }
0xad: {  	s28 =	simm.s32 $_size_execute0_lowered;
	s3 =	sadd.s32 s3, s5;
	[dreg:$0x0] =	wrdreg $0x0  }
0xae: {  	s5 =	sshll.u32 s28, $0x1;
	[dreg:$0x2] =	wrdreg s3  }
0xaf: {  	[dreg:$0x3] =	wrdreg s5  }
0xb0: {  	[dreg:$0x4] =	wrdreg $0xC0  }
0xb1: {  	_ =	task [dreg:s7], $0x5FFFF  }
0xb2: {  	[dreg:$0x1] =	wrdreg $0xFFFFFFFF  }
0xb3: {  	[dreg:$0x0] =	wrdreg $0x60  }
0xb4: {  	[dreg:$0x2] =	wrdreg s24  }
0xb5: {  	[dreg:$0x3] =	wrdreg s16  }
0xb6: {  	[dreg:$0x4] =	wrdreg $0x9  }
0xb7: {  	_ =	task.clear_ibuf [dreg:s7], $0x5FFFF;
	_ =	strace $0x90000049  }
0xb8: {  	s29 =	simm.s32 $0x9;
	_ =	strace $0x8000004B  }
0xb9: {  	_ =	swait.ge [sflag:s29], $0x1  }
0xba: {  	[sflag:s29] =	ssyncadd.s32 $0xFFFFFFFF  }
0xbb: {  	_ =	strace $0x9000004B  }
0xbc: {  	_ =	sfence  }
0xbd: {  	s30 =	sld [smem:$0x0];
	_ =	sdelay $0x2  }
0xbe: {  	s31 =	sshll.u32 s1, $0xD;
	s1 =	sshrl.u32 s1, $0x2  }
0xbf: {  	s3 =	sand.u32 $0x4000, s31;
	s1 =	sadd.s32 s1, s30  }
0xc0: {  	s0 =	sor.u32 s3, s0;
	s1 =	sshll.u32 s1, $0x11  }
0xc1: {  	s0 =	sor.u32 s1, s0  }
0xc2: {  	s0 =	sadd.s32 $0x8F2B, s0  }
0xc3: {  	[sflag:s0] =	ssyncadd.remote.s32 $0x1  }
0xc4: {  	_ =	sfence.sel $0xFFFF  }
0xc5: {  	[dreg:$0x0] =	wrdreg $0xFFFFFFFF;
	(pc) =	sbr.abs _section_cstart, $3  }
0xc6: {  	[dreg:$0x1] =	wrdreg $0xFFFFFFFF  }
0xc7: {  	_ =	task.clear_ibuf [dreg:s7], $0x2FFFF;
	_ =	strace $0x9FFFFFFF  }
0xc8: {  	(tm) =	ssettm $0x7FFFFFFF  }
0xc9: {  	_ =	shalt  }
tec
execute0_lowered:
.L_overlay_start_1:
0x0: {  	(tag) =	ssettag $0x1  }
0x1: {  	s1 =	srdreg.scid;
	s0 =	stileid.u32  }
0x2: {  	s13 =	rddreg [dreg:$0x0];
	s10 =	sand.u32 $0x1, s1;
	s30 =	sshll.u32 s0, $0x1  }
0x3: {  	s3 =	rddreg [dreg:$0x1];
	s11 =	sor.u32 s10, s30  }
0x4: {  	s2 =	simm.s32 $0x0;
	s1 =	rddreg [dreg:$0x2];
	s4 =	smul.u32 $0x28, s11  }
0x5: {  	[smem:$0x7FF] =	sst s2  }
0x6: {  	_ =	strace $0x8000004A;
	s4 =	sadd.s32 s3, s4;
	s3 =	simm.s32 $0x2  }
0x7: {  	[tilespmem:s2], [sflag:$0x2] =	stream.linear.gather [hbm4b:s4+s2], $0x140, $0x38;
	[tilespmem:$0xA180] =	vst v63  }
0x8: {  	_ =	swait.ge [sflag:s3], $0x140  }
0x9: {  	s6 =	simm.s32 $0x80;
	s7 =	simm.s32 $0x180;
	[sflag:s3] =	ssyncset.done $0x0  }
0xa: {  	s8 =	simm.s32 $0x1;
	s5 =	sadd.s32 $0x1B8E00, s13;
	[sflag:s3] =	ssyncadd.s32 $0xFFFFFEC0  }
0xb: {  	[tilespmem:s7], [sflag:$0x1] =	stream.indirect.gather [hbm4b:s5+s6], $0x80, s2, s6, $0xb8;
	[tilespmem:$0xA180] =	vst v63  }
0xc: {  	_ =	swait.ge [sflag:s8], $0x4000  }
0xd: {  	s9 =	simm.s32 $0x4180;
	s12 =	simm.s32 $0x8180;
	[sflag:s8] =	ssyncset.done $0x0  }
0xe: {  	s15 =	ssub.s32 $0x2, s10;
	s10 =	simm.s32 $0x40;
	[sflag:s8] =	ssyncadd.s32 $0xFFFFC000  }
0xf: {  	[tilespmem:s9], [sflag:$0x1] =	stream.indirect.gather [hbm4b:s5+s6], $0x80, s6, s6, $0xb8;
	[tilespmem:$0xA180] =	vst v63  }
0x10: {  	s14 =	smul.u32 $0x1400, s11;
	s16 =	sshrl.u32 s15, $0x1;
	_ =	swait.ge [sflag:s8], $0x4000  }
0x11: {  	s11 =	simm.s32 $0x100;
	s31 =	ssub.s32 s15, s16;
	[sflag:s8] =	ssyncset.done $0x0  }
0x12: {  	s13 =	sadd.s32 s14, s13;
	s14 =	smax.u32 s31, $0x1;
	[sflag:s8] =	ssyncadd.s32 $0xFFFFC000  }
0x13: {  	[tilespmem:s12], [sflag:$0x1] =	stream.indirect.gather [hbm4b:s5+s10], $0x80, s11, s10, $0xb8;
	[tilespmem:$0xA180] =	vst v63  }
0x14: {  	p0 =	sne.s32 s14, $0x1;
	_ =	swait.ge [sflag:s8], $0x2000  }
.Ltmp0:
0x15: {  	[sflag:s8] =	ssyncset.done $0x0;
	(pc) =	sbr.rel @!p0 .LBB2_2-.Ltmp0, $4  }
0x16: {  	s13 =	sadd.s32 $0x1E00, s13;
	[sflag:s8] =	ssyncadd.s32 $0xFFFFE000  }
0x17: {  	[hbm4b:s13+s2] =	stream.linear.scatter [tilespmem:s7], [sflag:$0x2], $0xA000, $0x38;
	[tilespmem:$0xA180] =	vst v63  }
0x18: {  	_ =	swait.ge [sflag:s3], $0xA000  }
0x19: {  	s14 =	sadd.s32 $0xFFFFFFFF, s14;
	[sflag:s3] =	ssyncset.done $0x0  }
.LBB2_1:
0x1a: {  	p0 =	sne.s32 s14, $0x1;
	s14 =	sadd.s32 $0xFFFFFFFF, s14;
	[sflag:s3] =	ssyncadd.s32 $0xFFFF6000  }
0x1b: {  	[tilespmem:s2], [sflag:$0x2] =	stream.linear.gather [hbm4b:s4+s2], $0x140, $0x38;
	[tilespmem:$0xA180] =	vst v63  }
0x1c: {  	_ =	swait.ge [sflag:s3], $0x140  }
0x1d: {  	[sflag:s3] =	ssyncset.done $0x0  }
0x1e: {  	[sflag:s3] =	ssyncadd.s32 $0xFFFFFEC0  }
0x1f: {  	[tilespmem:s7], [sflag:$0x1] =	stream.indirect.gather [hbm4b:s5+s6], $0x80, s2, s6, $0xb8;
	[tilespmem:$0xA180] =	vst v63  }
0x20: {  	_ =	swait.ge [sflag:s8], $0x4000  }
0x21: {  	[sflag:s8] =	ssyncset.done $0x0  }
0x22: {  	[sflag:s8] =	ssyncadd.s32 $0xFFFFC000  }
0x23: {  	[tilespmem:s9], [sflag:$0x1] =	stream.indirect.gather [hbm4b:s5+s6], $0x80, s6, s6, $0xb8;
	[tilespmem:$0xA180] =	vst v63  }
0x24: {  	_ =	swait.ge [sflag:s8], $0x4000  }
0x25: {  	[sflag:s8] =	ssyncset.done $0x0  }
0x26: {  	[sflag:s8] =	ssyncadd.s32 $0xFFFFC000  }
0x27: {  	[tilespmem:s12], [sflag:$0x1] =	stream.indirect.gather [hbm4b:s5+s10], $0x80, s11, s10, $0xb8;
	[tilespmem:$0xA180] =	vst v63  }
0x28: {  	_ =	swait.ge [sflag:s8], $0x2000  }
.Ltmp1:
0x29: {  	[sflag:s8] =	ssyncset.done $0x0;
	(pc) =	sbr.rel @p0 .LBB2_1-.Ltmp1, $4  }
0x2a: {  	[sflag:s8] =	ssyncadd.s32 $0xFFFFE000  }
0x2b: {  	[hbm4b:s13+s2] =	stream.linear.scatter [tilespmem:s7], [sflag:$0x2], $0xA000, $0x38;
	[tilespmem:$0xA180] =	vst v63  }
0x2c: {  	_ =	swait.ge [sflag:s3], $0xA000  }
0x2d: {  	[sflag:s3] =	ssyncset.done $0x0  }
.LBB2_2:
0x2e: {  	[sflag:s3] =	ssyncadd.s32 $0xFFFF6000  }
0x2f: {  	_ =	sfence.sel $0x180000  }
0x30: {  	[bflag:$0x0] =	sbarrier.arrive $0xFFFF  }
0x31: {  	p0 =	sne.s32 s0, $0x0;
	_ =	strace $0x9000004A  }
0x32: {  	s0 =	sadd.s32 @!p0 $0x100000, s1;
	[bflag:$0x2] =	sbarrier.arrive $0xFFFF  }
0x33: {  	[sflag:s0] =	ssyncadd.tile.s32 @!p0 $0x1;
	_ =	shalt  }
.Lfunc_end2:
_tile_overlayer_lowered:
.L_overlay_start_2:
0x34: {  	(tag) =	ssettag $0x2  }
0x35: {  	s0 =	rddreg [dreg:$0x0];
	s2 =	stileid.u32  }
0x36: {  	s1 =	rddreg [dreg:$0x1];
	p0 =	sne.s32 s2, $0x0  }
0x37: {  	s3 =	rddreg [dreg:$0x2];
	[bflag:$0x3] =	sbarrier.arrive $0xFFFF;
	s2 =	simm.s32 @!p0 $0x1C02  }
0x38: {  	[timem:s3], [sflag:s2] =	dma.local @!p0 [hbm:s0], s1  }
0x39: {  	s0 =	simm.s32 @!p0 $0x2  }
0x3a: {  	_ =	swait.ge @!p0 [sflag:s0], s1  }
0x3b: {  	s1 =	ssub.s32 @!p0 $0x0, s1;
	[sflag:s0] =	ssyncset.done @!p0 $0x0  }
0x3c: {  	[sflag:s0] =	ssyncadd.s32 @!p0 s1  }
0x3d: {  	[bflag:$0x3] =	sbarrier.arrive $0xFFFF  }
0x3e: {  	_ =	shalt  }

// kernel: kernel.15.cloned.1.call-start
scs
__scs_entry_jumppad:
0x0: {  	(pc) =	sbr.rel $0x88, $3  }
0x1: {  	(tag) =	ssettag $0x0;
	lr =	simm.s32 $0x1  }
0x2: {  	[smem:$0x3F9B] =	sst lr;
	_ =	strace $0xD0000000  }
0x3: {  	_ = 	snop  }
0x4: {  	_ = 	snop  }
0x5: {  	_ = 	snop  }
0x6: {  	_ = 	snop  }
0x7: {  	_ = 	snop  }
__scs_overlays_trampoline_lowered:
0x8: {  	[smem:$0x3FAA] =	sst s0  }
0x9: {  	[smem:$0x3FAB] =	sst s1  }
0xa: {  	[smem:$0x3FAC] =	sst s2  }
0xb: {  	[smem:$0x3FAD] =	sst s3  }
0xc: {  	[smem:$0x3FAE] =	sst s4  }
0xd: {  	[smem:$0x3FAF] =	sst s5  }
0xe: {  	[smem:$0x3FB0] =	sst s6  }
0xf: {  	[smem:$0x3FB1] =	sst s7  }
0x10: {  	[smem:$0x3FB2] =	sst s8  }
0x11: {  	[smem:$0x3FB3] =	sst s9;
	s0 =	simm.s32 @!p0 $0x0  }
0x12: {  	s1 =	sld [smem:$0x3F99];
	s0 =	simm.s32 @p0 $0x1  }
0x13: {  	[smem:$0x3FB4] =	sst s0;
	s0 =	simm.s32 @!p1 $0x0  }
0x14: {  	s2 =	sld [smem:$0x3F98];
	s0 =	simm.s32 @p1 $0x1  }
0x15: {  	[smem:$0x3FB5] =	sst s0;
	s0 =	simm.s32 @!p2 $0x0  }
0x16: {  	s3 =	sld [smem:$0x3FDB];
	s0 =	simm.s32 @p2 $0x1  }
0x17: {  	s4 =	simm.s32 $0x1BF5;
	[smem:$0x3FB7] =	sst s0  }
0x18: {  	s0 =	sld [smem:$0x3F9A];
	_ =	swait.ge [sflag:s4], $0x0  }
0x19: {  	s7 =	sld [smem:$0x3F9B]  }
0x1a: {  	s8 =	sadd.s32 $0xFFFFE003, lr  }
0x1b: {  	s9 =	sadd.s32 $0xFFFFFEF7, lr;
	s5 =	simm.s32 $0xFFFFFFFF;
	p2 =	slt.u32 s8, $0xFFFFF086  }
0x1c: {  	p1 =	slt.u32 s9, $0xF7A;
	s5 =	simm.s32 @!p2 $0x0  }
0x1d: {  	s5 =	simm.s32 @p1 $0x1;
	p0 =	seq.s32 s7, s2  }
0x1e: {  	s7 =	smul.u32 @!p0 $0xF7A, s2;
	p2 =	seq.s32 @!p0 s5, $0x0  }
0x1f: {  	s9 =	smul.u32 $0xF7A, s1;
	s8 =	simm.s32 @!p0 $0x1BF5;
	p2 =	por !p2, p0  }
0x20: {  	[sflag:s8] =	ssyncset.s32 @!p0 $0xFFFFF086;
	s6 =	sadd.s32 @!p0 s3, s7;
	s7 =	simm.s32 @!p0 $0x108  }
0x21: {  	s3 =	sadd.s32 s3, s9;
	s6 =	sadd.s32 @!p0 $0x88, s6;
	s7 =	simm.s32 @p2 $0x1082  }
0x22: {  	[simem:s7], [sflag:s8] =	dma.local @!p0 [hbm:s6], $0xF7A  }
0x23: {  	s9 =	sor.u32 $0xD0000000, s2;
	s6 =	simm.s32 $0x108;
	_ =	swait.ge @!p0 [sflag:s8], $0x0  }
0x24: {  	s3 =	sadd.s32 $0x88, s3;
	s6 =	simm.s32 @!p1 $0x1082;
	[sflag:s4] =	ssyncset.s32 $0xFFFFF086  }
0x25: {  	[simem:s6], [sflag:s4] =	dma.local [hbm:s3], $0xF7A  }
0x26: {  	[smem:$0x3F9B] =	sst s1;
	(tag) =	ssettag s2;
	_ =	strace s9  }
0x27: {  	s1 =	sld [smem:$0x3FAB]  }
0x28: {  	s2 =	sld [smem:$0x3FAC]  }
0x29: {  	s4 =	sld [smem:$0x3FAE]  }
0x2a: {  	p0 =	seq.s32 s5, $0x0;
	s5 =	sld [smem:$0x3FAF]  }
0x2b: {  	s6 =	sld [smem:$0x3FB0]  }
0x2c: {  	s7 =	sld [smem:$0x3FB1]  }
0x2d: {  	s3 =	simm.s32 $0x108;
	s8 =	sld [smem:$0x3FB2]  }
0x2e: {  	s3 =	simm.s32 @!p0 $0x1082;
	s9 =	sld [smem:$0x3FB3]  }
0x2f: {  	lr =	sadd.s32 s0, s3;
	s0 =	sld [smem:$0x3FAA]  }
0x30: {  	s3 =	sld [smem:$0x3FAD]  }
0x31: {  	[smem:$0x3FB6] =	sst s10  }
0x32: {  	s10 =	sld [smem:$0x3FB4];
	_ =	sdelay $0x3  }
0x33: {  	p0 =	seq.s32 s10, $0x1;
	s10 =	sld [smem:$0x3FB6];
	_ =	sdelay $0x3  }
0x34: {  	[smem:$0x3FB6] =	sst s10  }
0x35: {  	s10 =	sld [smem:$0x3FB5];
	_ =	sdelay $0x3  }
0x36: {  	p1 =	seq.s32 s10, $0x1;
	s10 =	sld [smem:$0x3FB6];
	_ =	sdelay $0x3  }
0x37: {  	[smem:$0x3FB6] =	sst s10  }
0x38: {  	s10 =	sld [smem:$0x3FB7]  }
0x39: {  	_ = 	snop;
	(pc) =	sbr.ind lr, $3  }
0x3a: {  	_ = 	snop  }
0x3b: {  	_ = 	snop  }
0x3c: {  	p2 =	seq.s32 s10, $0x1;
	s10 =	sld [smem:$0x3FB6]  }
0x3d: {  	_ =	shalt  }
0x3e: {  	_ =	shalt  }
0x3f: {  	_ =	shalt  }
0x40: {  	_ =	shalt  }
0x41: {  	_ =	shalt  }
0x42: {  	_ =	shalt  }
0x43: {  	_ =	shalt  }
0x44: {  	_ =	shalt  }
0x45: {  	_ =	shalt  }
0x46: {  	_ =	shalt  }
0x47: {  	_ =	shalt  }
0x48: {  	_ =	shalt  }
0x49: {  	_ =	shalt  }
0x4a: {  	_ =	shalt  }
0x4b: {  	_ =	shalt  }
0x4c: {  	_ =	shalt  }
0x4d: {  	_ =	shalt  }
0x4e: {  	_ =	shalt  }
0x4f: {  	_ =	shalt  }
0x50: {  	_ =	shalt  }
0x51: {  	_ =	shalt  }
0x52: {  	_ =	shalt  }
0x53: {  	_ =	shalt  }
0x54: {  	_ =	shalt  }
0x55: {  	_ =	shalt  }
0x56: {  	_ =	shalt  }
0x57: {  	_ =	shalt  }
0x58: {  	_ =	shalt  }
0x59: {  	_ =	shalt  }
0x5a: {  	_ =	shalt  }
0x5b: {  	_ =	shalt  }
0x5c: {  	_ =	shalt  }
0x5d: {  	_ =	shalt  }
0x5e: {  	_ =	shalt  }
0x5f: {  	_ =	shalt  }
0x60: {  	_ =	shalt  }
0x61: {  	_ =	shalt  }
0x62: {  	_ =	shalt  }
0x63: {  	_ =	shalt  }
0x64: {  	_ =	shalt  }
0x65: {  	_ =	shalt  }
0x66: {  	_ =	shalt  }
0x67: {  	_ =	shalt  }
0x68: {  	_ =	shalt  }
0x69: {  	_ =	shalt  }
0x6a: {  	_ =	shalt  }
0x6b: {  	_ =	shalt  }
0x6c: {  	_ =	shalt  }
0x6d: {  	_ =	shalt  }
0x6e: {  	_ =	shalt  }
0x6f: {  	_ =	shalt  }
0x70: {  	_ =	shalt  }
0x71: {  	_ =	shalt  }
0x72: {  	_ =	shalt  }
0x73: {  	_ =	shalt  }
0x74: {  	_ =	shalt  }
0x75: {  	_ =	shalt  }
0x76: {  	_ =	shalt  }
0x77: {  	_ =	shalt  }
0x78: {  	_ =	shalt  }
0x79: {  	_ =	shalt  }
0x7a: {  	_ =	shalt  }
0x7b: {  	_ =	shalt  }
0x7c: {  	_ =	shalt  }
0x7d: {  	_ =	shalt  }
0x7e: {  	_ =	shalt  }
0x7f: {  	_ =	shalt  }
0x80: {  	_ =	shalt  }
0x81: {  	_ =	shalt  }
0x82: {  	_ =	shalt  }
0x83: {  	_ =	shalt  }
0x84: {  	_ =	shalt  }
0x85: {  	_ =	shalt  }
0x86: {  	_ =	shalt  }
0x87: {  	_ =	shalt  }
.Lfunc_end0:
.L_simem_size_0:
called_computation.2_lowered:
.L_overlay_start_0:
0x88: {  	s2 =	sld [smem:$0x3FD9]  }
0x89: {  	s3 =	sld [smem:$0x3FFE];
	_ =	sdelay $0x1  }
0x8a: {  	s1 =	srdreg.scid  }
0x8b: {  	s0 =	sand.u32 $0x1, s1  }
0x8c: {  	s14 =	sshll.u32 s0, $0xA;
	s2 =	sadd.s32 s3, s2  }
0x8d: {  	s2 =	sadd.s32 s2, s14  }
0x8e: {  	[smem:$0x3FC2] =	sst s2  }
0x8f: {  	_ = 	snop  }
0x90: {  	s2 =	sld [smem:$0x3FD0];
	_ =	sdelay $0x2  }
0x91: {  	s4 =	simm.s32 $0xA;
	s5 =	simm.s32 $0x10;
	s15 =	sld [smem:$0x3FC4]  }
0x92: {  	[smem:s5], [sflag:s4] =	dma.local [hbm:s2], $0x1  }
0x93: {  	_ =	swait.eq [sflag:s4], $0x1  }
0x94: {  	[sflag:s4] =	ssyncset.done $0x0  }
0x95: {  	[sflag:s4] =	ssyncadd.s32 $0xFFFFFFFF  }
0x96: {  	s16 =	sld [smem:$0x10];
	(tm) =	ssettm $0x1  }
0x97: {  	s17 =	sld [smem:$0x3FFB];
	_ =	sdelay $0x3  }
0x98: {  	_ =	strace s17  }
0x99: {  	s4 =	sld [smem:$0x3FFC];
	_ =	sdelay $0x3  }
0x9a: {  	_ =	strace s4  }
0x9b: {  	s4 =	sld [smem:$0x3FFD];
	_ =	sdelay $0x3  }
0x9c: {  	_ =	strace s4  }
0x9d: {  	_ =	strace $0x8FFFFFFF  }
0x9e: {  	s18 =	sld [smem:$0x3FDB];
	_ =	sdelay $0x1  }
0x9f: {  	s19 =	simm.s32 $_scs_section_size  }
0xa0: {  	s6 =	simm.s32 $_size__tile_overlayer_lowered;
	s7 =	simm.s32 $_tile_overlayer_lowered  }
0xa1: {  	s22 =	simm.s32 $0x1BFF;
	s21 =	sshll.u32 s7, $0x1;
	s4 =	sadd.s32 s19, s18  }
0xa2: {  	s8 =	simm.s32 $0x0;
	s20 =	sshll.u32 s6, $0x1;
	s6 =	sadd.s32 s21, s4  }
0xa3: {  	[timem:s8], [sflag:s22] =	dma.local [hbm:s6], s20  }
0xa4: {  	_ =	swait.ge [sflag:s22], s20  }
0xa5: {  	s5 =	ssub.s32 $0x0, s20;
	[sflag:s22] =	ssyncset.done $0x0  }
0xa6: {  	[sflag:s22] =	ssyncadd.s32 s5;
	_ =	sdelay $0x1  }
0xa7: {  	s23 =	simm.s32 $0x1B8B  }
0xa8: {  	_ =	swait.ge [sflag:s23], $0x1  }
0xa9: {  	[sflag:s23] =	ssyncset.done $0x0  }
0xaa: {  	s25 =	simm.s32 $0x1B8E;
	s24 =	sld [smem:$0x3FFE];
	[sflag:s23] =	ssyncadd.s32 $0xFFFFFFFF  }
0xab: {  	s26 =	simm.s32 $execute0_lowered;
	[smem:$0x3FD2] =	sst s25  }
0xac: {  	s6 =	sshll.u32 s26, $0x1;
	_ =	strace $0x8000004C;
	[dreg:$0x1] =	wrdreg $0xFFFFFFFF  }
0xad: {  	s28 =	simm.s32 $_size_execute0_lowered;
	s4 =	sadd.s32 s4, s6;
	[dreg:$0x0] =	wrdreg $0x0  }
0xae: {  	s6 =	sshll.u32 s28, $0x1;
	[dreg:$0x2] =	wrdreg s4  }
0xaf: {  	[dreg:$0x3] =	wrdreg s6  }
0xb0: {  	[dreg:$0x4] =	wrdreg $0xC0  }
0xb1: {  	_ =	task [dreg:s8], $0x5FFFF  }
0xb2: {  	[dreg:$0x1] =	wrdreg $0xFFFFFFFF  }
0xb3: {  	[dreg:$0x0] =	wrdreg $0x60  }
0xb4: {  	[dreg:$0x2] =	wrdreg s15  }
0xb5: {  	[dreg:$0x3] =	wrdreg s16  }
0xb6: {  	[dreg:$0x4] =	wrdreg s24  }
0xb7: {  	[dreg:$0x5] =	wrdreg $0x9  }
0xb8: {  	_ =	task.clear_ibuf [dreg:s8], $0x6FFFF;
	_ =	strace $0x9000004C  }
0xb9: {  	s29 =	simm.s32 $0x9;
	_ =	strace $0x8000004E  }
0xba: {  	_ =	swait.ge [sflag:s29], $0x1  }
0xbb: {  	[sflag:s29] =	ssyncadd.s32 $0xFFFFFFFF  }
0xbc: {  	_ =	strace $0x9000004E  }
0xbd: {  	_ =	sfence  }
0xbe: {  	s30 =	sld [smem:$0x0];
	_ =	sdelay $0x2  }
0xbf: {  	s31 =	sshll.u32 s1, $0xD;
	s1 =	sshrl.u32 s1, $0x2  }
0xc0: {  	s3 =	sand.u32 $0x4000, s31;
	s1 =	sadd.s32 s1, s30  }
0xc1: {  	s0 =	sor.u32 s3, s0;
	s1 =	sshll.u32 s1, $0x11  }
0xc2: {  	s0 =	sor.u32 s1, s0  }
0xc3: {  	s0 =	sadd.s32 $0x8F2B, s0  }
0xc4: {  	[sflag:s0] =	ssyncadd.remote.s32 $0x1  }
0xc5: {  	_ =	sfence.sel $0xFFFF  }
0xc6: {  	[dreg:$0x0] =	wrdreg $0xFFFFFFFF;
	(pc) =	sbr.abs _section_cstart, $3  }
0xc7: {  	[dreg:$0x1] =	wrdreg $0xFFFFFFFF  }
0xc8: {  	_ =	task.clear_ibuf [dreg:s8], $0x2FFFF;
	_ =	strace $0x9FFFFFFF  }
0xc9: {  	(tm) =	ssettm $0x7FFFFFFF  }
tec
execute0_lowered:
.L_overlay_start_1:
0x0: {  	(tag) =	ssettag $0x1  }
0x1: {  	s1 =	rddreg [dreg:$0x0];
	s2 =	srdreg.scid  }
0x2: {  	s0 =	stileid.u32;
	s4 =	rddreg [dreg:$0x1]  }
0x3: {  	s6 =	rddreg [dreg:$0x2];
	s3 =	simm.s32 $0x0;
	s10 =	simm.s32 $0x1100  }
0x4: {  	s11 =	simm.s32 $0x1900;
	s12 =	simm.s32 $0x2100;
	s13 =	simm.s32 $0x2900  }
0x5: {  	s14 =	simm.s32 $0x3100;
	s15 =	simm.s32 $0x3900;
	s16 =	simm.s32 $0x4100  }
0x6: {  	s17 =	simm.s32 $0x4900;
	s18 =	simm.s32 $0x5100;
	s19 =	simm.s32 $0x5900  }
0x7: {  	s20 =	simm.s32 $0x6100;
	s21 =	simm.s32 $0x6900;
	s22 =	simm.s32 $0x7100  }
0x8: {  	s23 =	simm.s32 $0x7900;
	s24 =	simm.s32 $0x1;
	s25 =	simm.s32 $0x8100  }
0x9: {  	s26 =	simm.s32 $0x8900;
	s5 =	sand.u32 $0x1, s2;
	s30 =	sshll.u32 s0, $0x1  }
0xa: {  	s28 =	simm.s32 $0x9100;
	s29 =	simm.s32 $0x9900;
	s7 =	sor.u32 s5, s30  }
0xb: {  	s2 =	rddreg [dreg:$0x3];
	s5 =	ssub.s32 $0x2, s5;
	s8 =	smul.u32 $0x1400, s7  }
0xc: {  	[smem:$0x7FF] =	sst s3;
	s7 =	smul.u32 $0x14, s7;
	s9 =	sshrl.u32 s5, $0x1  }
0xd: {  	v2 =	vlaneseq.u32;
	_ =	strace $0x8000004D;
	s31 =	ssub.s32 s5, s9;
	s9 =	simm.s32 $0x900  }
0xe: {  	vm0 =	vmmov $0xffff;
	v1 =	vshrl.u32 v2, $0x3;
	s6 =	sadd.s32 s8, s6;
	s4 =	sadd.s32 s4, s7;
	s7 =	simm.s32 $0x2  }
0xf: {  	v0 =	vand.u32 $0x7, v2;
	v2 =	vor.u32 $0x8, v2;
	v1 =	vmul.u32 $0x8, v1;
	s8 =	simm.s32 $0x100;
	s5 =	sadd.s32 $0x1E00, s6;
	s6 =	smax.u32 s31, $0x1  }
.LBB2_1:
0x10: {  	[tilespmem:s3], [sflag:$0x2] =	stream.linear.gather [hbm4b:s4+s3], $0xA0, $0x38;
	[tilespmem:$0xA100] =	vst v63  }
0x11: {  	_ =	swait.ge [sflag:s7], $0xA0  }
0x12: {  	[sflag:s7] =	ssyncset.done $0x0  }
0x13: {  	[sflag:s7] =	ssyncadd.s32 $0xFFFFFF60  }
0x14: {  	v3 =	vld [tilespmem:$0x0];
	_ =	sdelay $0x4  }
0x15: {  	v4 =	vshll.u32 v3, $0x1  }
0x16: {  	v3 =	vand.u32 $0x7, v3;
	v4 =	vand.u32 $0xFFFFFFF0, v4  }
0x17: {  	v3 =	vor.u32 v3, v4  }
0x18: {  	v4 =	vperm.xlane v3, v0;
	_ =	sdelay $0x1  }
0x19: {  	v3 =	vperm.xlane v3, v2;
	v4 =	vadd.s32 v1, v4;
	_ =	sdelay $0x1  }
0x1a: {  	v3 =	vadd.s32 v1, v3;
	_ =	sdelay $0x2  }
0x1b: {  	[tilespmem:s8], [sflag:$0x1] =	stream.indirect_vreg.gather [hbm4b:s1+s3], $0x80, v4, vm0, $0xb8;
	[tilespmem:$0xA100] =	vst v63  }
0x1c: {  	_ = 	snop  }
0x1d: {  	[tilespmem:s9], [sflag:$0x1] =	stream.indirect_vreg.gather [hbm4b:s1+s3], $0x80, v3, vm0, $0xb8;
	[tilespmem:$0xA100] =	vst v63  }
0x1e: {  	v3 =	vld [tilespmem:$0x10];
	_ =	sdelay $0x4  }
0x1f: {  	v55 =	vshll.u32 v3, $0x1  }
0x20: {  	v3 =	vand.u32 $0x7, v3;
	v4 =	vand.u32 $0xFFFFFFF0, v55  }
0x21: {  	v3 =	vor.u32 v3, v4  }
0x22: {  	v4 =	vperm.xlane v3, v0;
	_ =	sdelay $0x1  }
0x23: {  	v3 =	vperm.xlane v3, v2;
	v4 =	vadd.s32 v1, v4;
	_ =	sdelay $0x1  }
0x24: {  	v3 =	vadd.s32 v1, v3;
	_ =	sdelay $0x2  }
0x25: {  	[tilespmem:s10], [sflag:$0x1] =	stream.indirect_vreg.gather [hbm4b:s1+s3], $0x80, v4, vm0, $0xb8;
	[tilespmem:$0xA100] =	vst v63  }
0x26: {  	_ = 	snop  }
0x27: {  	[tilespmem:s11], [sflag:$0x1] =	stream.indirect_vreg.gather [hbm4b:s1+s3], $0x80, v3, vm0, $0xb8;
	[tilespmem:$0xA100] =	vst v63  }
0x28: {  	v3 =	vld [tilespmem:$0x20];
	_ =	sdelay $0x4  }
0x29: {  	v56 =	vshll.u32 v3, $0x1  }
0x2a: {  	v3 =	vand.u32 $0x7, v3;
	v4 =	vand.u32 $0xFFFFFFF0, v56  }
0x2b: {  	v3 =	vor.u32 v3, v4  }
0x2c: {  	v4 =	vperm.xlane v3, v0;
	_ =	sdelay $0x1  }
0x2d: {  	v3 =	vperm.xlane v3, v2;
	v4 =	vadd.s32 v1, v4;
	_ =	sdelay $0x1  }
0x2e: {  	v3 =	vadd.s32 v1, v3;
	_ =	sdelay $0x2  }
0x2f: {  	[tilespmem:s12], [sflag:$0x1] =	stream.indirect_vreg.gather [hbm4b:s1+s3], $0x80, v4, vm0, $0xb8;
	[tilespmem:$0xA100] =	vst v63  }
0x30: {  	_ = 	snop  }
0x31: {  	[tilespmem:s13], [sflag:$0x1] =	stream.indirect_vreg.gather [hbm4b:s1+s3], $0x80, v3, vm0, $0xb8;
	[tilespmem:$0xA100] =	vst v63  }
0x32: {  	v3 =	vld [tilespmem:$0x30];
	_ =	sdelay $0x4  }
0x33: {  	v57 =	vshll.u32 v3, $0x1  }
0x34: {  	v3 =	vand.u32 $0x7, v3;
	v4 =	vand.u32 $0xFFFFFFF0, v57  }
0x35: {  	v3 =	vor.u32 v3, v4  }
0x36: {  	v4 =	vperm.xlane v3, v0;
	_ =	sdelay $0x1  }
0x37: {  	v3 =	vperm.xlane v3, v2;
	v4 =	vadd.s32 v1, v4;
	_ =	sdelay $0x1  }
0x38: {  	v3 =	vadd.s32 v1, v3;
	_ =	sdelay $0x2  }
0x39: {  	[tilespmem:s14], [sflag:$0x1] =	stream.indirect_vreg.gather [hbm4b:s1+s3], $0x80, v4, vm0, $0xb8;
	[tilespmem:$0xA100] =	vst v63  }
0x3a: {  	_ = 	snop  }
0x3b: {  	[tilespmem:s15], [sflag:$0x1] =	stream.indirect_vreg.gather [hbm4b:s1+s3], $0x80, v3, vm0, $0xb8;
	[tilespmem:$0xA100] =	vst v63  }
0x3c: {  	v3 =	vld [tilespmem:$0x40];
	_ =	sdelay $0x4  }
0x3d: {  	v58 =	vshll.u32 v3, $0x1  }
0x3e: {  	v3 =	vand.u32 $0x7, v3;
	v4 =	vand.u32 $0xFFFFFFF0, v58  }
0x3f: {  	v3 =	vor.u32 v3, v4  }
0x40: {  	v4 =	vperm.xlane v3, v0;
	_ =	sdelay $0x1  }
0x41: {  	v3 =	vperm.xlane v3, v2;
	v4 =	vadd.s32 v1, v4;
	_ =	sdelay $0x1  }
0x42: {  	v3 =	vadd.s32 v1, v3;
	_ =	sdelay $0x2  }
0x43: {  	[tilespmem:s16], [sflag:$0x1] =	stream.indirect_vreg.gather [hbm4b:s1+s3], $0x80, v4, vm0, $0xb8;
	[tilespmem:$0xA100] =	vst v63  }
0x44: {  	_ = 	snop  }
0x45: {  	[tilespmem:s17], [sflag:$0x1] =	stream.indirect_vreg.gather [hbm4b:s1+s3], $0x80, v3, vm0, $0xb8;
	[tilespmem:$0xA100] =	vst v63  }
0x46: {  	v3 =	vld [tilespmem:$0x50];
	_ =	sdelay $0x4  }
0x47: {  	v59 =	vshll.u32 v3, $0x1  }
0x48: {  	v3 =	vand.u32 $0x7, v3;
	v4 =	vand.u32 $0xFFFFFFF0, v59  }
0x49: {  	v3 =	vor.u32 v3, v4  }
0x4a: {  	v4 =	vperm.xlane v3, v0;
	_ =	sdelay $0x1  }
0x4b: {  	v3 =	vperm.xlane v3, v2;
	v4 =	vadd.s32 v1, v4;
	_ =	sdelay $0x1  }
0x4c: {  	v3 =	vadd.s32 v1, v3;
	_ =	sdelay $0x2  }
0x4d: {  	[tilespmem:s18], [sflag:$0x1] =	stream.indirect_vreg.gather [hbm4b:s1+s3], $0x80, v4, vm0, $0xb8;
	[tilespmem:$0xA100] =	vst v63  }
0x4e: {  	_ = 	snop  }
0x4f: {  	[tilespmem:s19], [sflag:$0x1] =	stream.indirect_vreg.gather [hbm4b:s1+s3], $0x80, v3, vm0, $0xb8;
	[tilespmem:$0xA100] =	vst v63  }
0x50: {  	v3 =	vld [tilespmem:$0x60];
	_ =	sdelay $0x4  }
0x51: {  	v60 =	vshll.u32 v3, $0x1  }
0x52: {  	v3 =	vand.u32 $0x7, v3;
	v4 =	vand.u32 $0xFFFFFFF0, v60  }
0x53: {  	v3 =	vor.u32 v3, v4  }
0x54: {  	v4 =	vperm.xlane v3, v0;
	_ =	sdelay $0x1  }
0x55: {  	v3 =	vperm.xlane v3, v2;
	v4 =	vadd.s32 v1, v4;
	_ =	sdelay $0x1  }
0x56: {  	v3 =	vadd.s32 v1, v3;
	_ =	sdelay $0x2  }
0x57: {  	[tilespmem:s20], [sflag:$0x1] =	stream.indirect_vreg.gather [hbm4b:s1+s3], $0x80, v4, vm0, $0xb8;
	[tilespmem:$0xA100] =	vst v63  }
0x58: {  	_ = 	snop  }
0x59: {  	[tilespmem:s21], [sflag:$0x1] =	stream.indirect_vreg.gather [hbm4b:s1+s3], $0x80, v3, vm0, $0xb8;
	[tilespmem:$0xA100] =	vst v63  }
0x5a: {  	v3 =	vld [tilespmem:$0x70];
	_ =	sdelay $0x4  }
0x5b: {  	v61 =	vshll.u32 v3, $0x1  }
0x5c: {  	v3 =	vand.u32 $0x7, v3;
	v4 =	vand.u32 $0xFFFFFFF0, v61  }
0x5d: {  	v3 =	vor.u32 v3, v4  }
0x5e: {  	v4 =	vperm.xlane v3, v0;
	_ =	sdelay $0x1  }
0x5f: {  	v3 =	vperm.xlane v3, v2;
	v4 =	vadd.s32 v1, v4;
	_ =	sdelay $0x1  }
0x60: {  	v3 =	vadd.s32 v1, v3;
	_ =	sdelay $0x2  }
0x61: {  	[tilespmem:s22], [sflag:$0x1] =	stream.indirect_vreg.gather [hbm4b:s1+s3], $0x80, v4, vm0, $0xb8;
	[tilespmem:$0xA100] =	vst v63  }
0x62: {  	_ = 	snop  }
0x63: {  	[tilespmem:s23], [sflag:$0x1] =	stream.indirect_vreg.gather [hbm4b:s1+s3], $0x80, v3, vm0, $0xb8;
	[tilespmem:$0xA100] =	vst v63  }
0x64: {  	_ =	swait.ge [sflag:s24], $0x8000  }
0x65: {  	[sflag:s24] =	ssyncset.done $0x0  }
0x66: {  	[sflag:s24] =	ssyncadd.s32 $0xFFFF8000  }
0x67: {  	v3 =	vld [tilespmem:$0x80];
	_ =	sdelay $0x4  }
0x68: {  	v62 =	vshll.u32 v3, $0x1  }
0x69: {  	v3 =	vand.u32 $0x7, v3;
	v4 =	vand.u32 $0xFFFFFFF0, v62  }
0x6a: {  	v3 =	vor.u32 v3, v4  }
0x6b: {  	v4 =	vperm.xlane v3, v0;
	_ =	sdelay $0x1  }
0x6c: {  	v3 =	vperm.xlane v3, v2;
	v4 =	vadd.s32 v1, v4;
	_ =	sdelay $0x1  }
0x6d: {  	v3 =	vadd.s32 v1, v3;
	_ =	sdelay $0x2  }
0x6e: {  	[tilespmem:s25], [sflag:$0x1] =	stream.indirect_vreg.gather [hbm4b:s1+s3], $0x80, v4, vm0, $0xb8;
	[tilespmem:$0xA100] =	vst v63  }
0x6f: {  	_ = 	snop  }
0x70: {  	[tilespmem:s26], [sflag:$0x1] =	stream.indirect_vreg.gather [hbm4b:s1+s3], $0x80, v3, vm0, $0xb8;
	[tilespmem:$0xA100] =	vst v63  }
0x71: {  	v3 =	vld [tilespmem:$0x90];
	_ =	sdelay $0x4  }
0x72: {  	v63 =	vshll.u32 v3, $0x1  }
0x73: {  	v3 =	vand.u32 $0x7, v3;
	v4 =	vand.u32 $0xFFFFFFF0, v63  }
0x74: {  	v3 =	vor.u32 v3, v4  }
0x75: {  	v4 =	vperm.xlane v3, v0;
	_ =	sdelay $0x1  }
0x76: {  	v3 =	vperm.xlane v3, v2;
	v4 =	vadd.s32 v1, v4;
	_ =	sdelay $0x1  }
0x77: {  	v3 =	vadd.s32 v1, v3;
	_ =	sdelay $0x2  }
0x78: {  	[tilespmem:s28], [sflag:$0x1] =	stream.indirect_vreg.gather [hbm4b:s1+s3], $0x80, v4, vm0, $0xb8;
	[tilespmem:$0xA100] =	vst v63  }
0x79: {  	_ = 	snop  }
0x7a: {  	[tilespmem:s29], [sflag:$0x1] =	stream.indirect_vreg.gather [hbm4b:s1+s3], $0x80, v3, vm0, $0xb8;
	[tilespmem:$0xA100] =	vst v63  }
0x7b: {  	_ =	swait.ge [sflag:s24], $0x2000  }
0x7c: {  	p0 =	sne.s32 s6, $0x1;
	[sflag:s24] =	ssyncset.done $0x0  }
.Ltmp0:
0x7d: {  	[sflag:s24] =	ssyncadd.s32 $0xFFFFE000;
	(pc) =	sbr.rel @p0 .LBB2_1-.Ltmp0, $4  }
0x7e: {  	[hbm4b:s5+s3] =	stream.linear.scatter [tilespmem:s8], [sflag:$0x2], $0xA000, $0x38;
	[tilespmem:$0xA100] =	vst v63  }
0x7f: {  	_ =	swait.ge [sflag:s7], $0xA000  }
0x80: {  	[sflag:s7] =	ssyncset.done $0x0  }
0x81: {  	s6 =	sadd.s32 $0xFFFFFFFF, s6;
	[sflag:s7] =	ssyncadd.s32 $0xFFFF6000  }
0x82: {  	_ =	sfence.sel $0x180000  }
0x83: {  	[bflag:$0x0] =	sbarrier.arrive $0xFFFF  }
0x84: {  	p0 =	sne.s32 s0, $0x0;
	_ =	strace $0x9000004D  }
0x85: {  	s0 =	sadd.s32 @!p0 $0x100000, s2;
	[bflag:$0x2] =	sbarrier.arrive $0xFFFF  }
0x86: {  	[sflag:s0] =	ssyncadd.tile.s32 @!p0 $0x1;
	_ =	shalt  }
.Lfunc_end2:
_tile_overlayer_lowered:
.L_overlay_start_2:
0x87: {  	(tag) =	ssettag $0x2  }
0x88: {  	s0 =	rddreg [dreg:$0x0];
	s2 =	stileid.u32  }
0x89: {  	s1 =	rddreg [dreg:$0x1];
	p0 =	sne.s32 s2, $0x0  }
0x8a: {  	s3 =	rddreg [dreg:$0x2];
	[bflag:$0x3] =	sbarrier.arrive $0xFFFF;
	s2 =	simm.s32 @!p0 $0x1C02  }
0x8b: {  	[timem:s3], [sflag:s2] =	dma.local @!p0 [hbm:s0], s1  }
0x8c: {  	s0 =	simm.s32 @!p0 $0x2  }
0x8d: {  	_ =	swait.ge @!p0 [sflag:s0], s1  }
0x8e: {  	s1 =	ssub.s32 @!p0 $0x0, s1;
	[sflag:s0] =	ssyncset.done @!p0 $0x0  }
0x8f: {  	[sflag:s0] =	ssyncadd.s32 @!p0 s1  }
0x90: {  	[bflag:$0x3] =	sbarrier.arrive $0xFFFF  }
0x91: {  	_ =	shalt  }

// kernel: kernel.9.cloned.1.call-start
scs
__scs_entry_jumppad:
0x0: {  	(pc) =	sbr.rel $0x88, $3  }
0x1: {  	(tag) =	ssettag $0x0;
	lr =	simm.s32 $0x1  }
0x2: {  	[smem:$0x3F9B] =	sst lr;
	_ =	strace $0xD0000000  }
0x3: {  	_ = 	snop  }
0x4: {  	_ = 	snop  }
0x5: {  	_ = 	snop  }
0x6: {  	_ = 	snop  }
0x7: {  	_ = 	snop  }
__scs_overlays_trampoline_lowered:
0x8: {  	[smem:$0x3FAA] =	sst s0  }
0x9: {  	[smem:$0x3FAB] =	sst s1  }
0xa: {  	[smem:$0x3FAC] =	sst s2  }
0xb: {  	[smem:$0x3FAD] =	sst s3  }
0xc: {  	[smem:$0x3FAE] =	sst s4  }
0xd: {  	[smem:$0x3FAF] =	sst s5  }
0xe: {  	[smem:$0x3FB0] =	sst s6  }
0xf: {  	[smem:$0x3FB1] =	sst s7  }
0x10: {  	[smem:$0x3FB2] =	sst s8  }
0x11: {  	[smem:$0x3FB3] =	sst s9;
	s0 =	simm.s32 @!p0 $0x0  }
0x12: {  	s1 =	sld [smem:$0x3F99];
	s0 =	simm.s32 @p0 $0x1  }
0x13: {  	[smem:$0x3FB4] =	sst s0;
	s0 =	simm.s32 @!p1 $0x0  }
0x14: {  	s2 =	sld [smem:$0x3F98];
	s0 =	simm.s32 @p1 $0x1  }
0x15: {  	[smem:$0x3FB5] =	sst s0;
	s0 =	simm.s32 @!p2 $0x0  }
0x16: {  	s3 =	sld [smem:$0x3FDB];
	s0 =	simm.s32 @p2 $0x1  }
0x17: {  	s4 =	simm.s32 $0x1BF5;
	[smem:$0x3FB7] =	sst s0  }
0x18: {  	s0 =	sld [smem:$0x3F9A];
	_ =	swait.ge [sflag:s4], $0x0  }
0x19: {  	s7 =	sld [smem:$0x3F9B]  }
0x1a: {  	s8 =	sadd.s32 $0xFFFFE003, lr  }
0x1b: {  	s9 =	sadd.s32 $0xFFFFFEF7, lr;
	s5 =	simm.s32 $0xFFFFFFFF;
	p2 =	slt.u32 s8, $0xFFFFF086  }
0x1c: {  	p1 =	slt.u32 s9, $0xF7A;
	s5 =	simm.s32 @!p2 $0x0  }
0x1d: {  	s5 =	simm.s32 @p1 $0x1;
	p0 =	seq.s32 s7, s2  }
0x1e: {  	s7 =	smul.u32 @!p0 $0xF7A, s2;
	p2 =	seq.s32 @!p0 s5, $0x0  }
0x1f: {  	s9 =	smul.u32 $0xF7A, s1;
	s8 =	simm.s32 @!p0 $0x1BF5;
	p2 =	por !p2, p0  }
0x20: {  	[sflag:s8] =	ssyncset.s32 @!p0 $0xFFFFF086;
	s6 =	sadd.s32 @!p0 s3, s7;
	s7 =	simm.s32 @!p0 $0x108  }
0x21: {  	s3 =	sadd.s32 s3, s9;
	s6 =	sadd.s32 @!p0 $0x88, s6;
	s7 =	simm.s32 @p2 $0x1082  }
0x22: {  	[simem:s7], [sflag:s8] =	dma.local @!p0 [hbm:s6], $0xF7A  }
0x23: {  	s9 =	sor.u32 $0xD0000000, s2;
	s6 =	simm.s32 $0x108;
	_ =	swait.ge @!p0 [sflag:s8], $0x0  }
0x24: {  	s3 =	sadd.s32 $0x88, s3;
	s6 =	simm.s32 @!p1 $0x1082;
	[sflag:s4] =	ssyncset.s32 $0xFFFFF086  }
0x25: {  	[simem:s6], [sflag:s4] =	dma.local [hbm:s3], $0xF7A  }
0x26: {  	[smem:$0x3F9B] =	sst s1;
	(tag) =	ssettag s2;
	_ =	strace s9  }
0x27: {  	s1 =	sld [smem:$0x3FAB]  }
0x28: {  	s2 =	sld [smem:$0x3FAC]  }
0x29: {  	s4 =	sld [smem:$0x3FAE]  }
0x2a: {  	p0 =	seq.s32 s5, $0x0;
	s5 =	sld [smem:$0x3FAF]  }
0x2b: {  	s6 =	sld [smem:$0x3FB0]  }
0x2c: {  	s7 =	sld [smem:$0x3FB1]  }
0x2d: {  	s3 =	simm.s32 $0x108;
	s8 =	sld [smem:$0x3FB2]  }
0x2e: {  	s3 =	simm.s32 @!p0 $0x1082;
	s9 =	sld [smem:$0x3FB3]  }
0x2f: {  	lr =	sadd.s32 s0, s3;
	s0 =	sld [smem:$0x3FAA]  }
0x30: {  	s3 =	sld [smem:$0x3FAD]  }
0x31: {  	[smem:$0x3FB6] =	sst s10  }
0x32: {  	s10 =	sld [smem:$0x3FB4];
	_ =	sdelay $0x3  }
0x33: {  	p0 =	seq.s32 s10, $0x1;
	s10 =	sld [smem:$0x3FB6];
	_ =	sdelay $0x3  }
0x34: {  	[smem:$0x3FB6] =	sst s10  }
0x35: {  	s10 =	sld [smem:$0x3FB5];
	_ =	sdelay $0x3  }
0x36: {  	p1 =	seq.s32 s10, $0x1;
	s10 =	sld [smem:$0x3FB6];
	_ =	sdelay $0x3  }
0x37: {  	[smem:$0x3FB6] =	sst s10  }
0x38: {  	s10 =	sld [smem:$0x3FB7]  }
0x39: {  	_ = 	snop;
	(pc) =	sbr.ind lr, $3  }
0x3a: {  	_ = 	snop  }
0x3b: {  	_ = 	snop  }
0x3c: {  	p2 =	seq.s32 s10, $0x1;
	s10 =	sld [smem:$0x3FB6]  }
0x3d: {  	_ =	shalt  }
0x3e: {  	_ =	shalt  }
0x3f: {  	_ =	shalt  }
0x40: {  	_ =	shalt  }
0x41: {  	_ =	shalt  }
0x42: {  	_ =	shalt  }
0x43: {  	_ =	shalt  }
0x44: {  	_ =	shalt  }
0x45: {  	_ =	shalt  }
0x46: {  	_ =	shalt  }
0x47: {  	_ =	shalt  }
0x48: {  	_ =	shalt  }
0x49: {  	_ =	shalt  }
0x4a: {  	_ =	shalt  }
0x4b: {  	_ =	shalt  }
0x4c: {  	_ =	shalt  }
0x4d: {  	_ =	shalt  }
0x4e: {  	_ =	shalt  }
0x4f: {  	_ =	shalt  }
0x50: {  	_ =	shalt  }
0x51: {  	_ =	shalt  }
0x52: {  	_ =	shalt  }
0x53: {  	_ =	shalt  }
0x54: {  	_ =	shalt  }
0x55: {  	_ =	shalt  }
0x56: {  	_ =	shalt  }
0x57: {  	_ =	shalt  }
0x58: {  	_ =	shalt  }
0x59: {  	_ =	shalt  }
0x5a: {  	_ =	shalt  }
0x5b: {  	_ =	shalt  }
0x5c: {  	_ =	shalt  }
0x5d: {  	_ =	shalt  }
0x5e: {  	_ =	shalt  }
0x5f: {  	_ =	shalt  }
0x60: {  	_ =	shalt  }
0x61: {  	_ =	shalt  }
0x62: {  	_ =	shalt  }
0x63: {  	_ =	shalt  }
0x64: {  	_ =	shalt  }
0x65: {  	_ =	shalt  }
0x66: {  	_ =	shalt  }
0x67: {  	_ =	shalt  }
0x68: {  	_ =	shalt  }
0x69: {  	_ =	shalt  }
0x6a: {  	_ =	shalt  }
0x6b: {  	_ =	shalt  }
0x6c: {  	_ =	shalt  }
0x6d: {  	_ =	shalt  }
0x6e: {  	_ =	shalt  }
0x6f: {  	_ =	shalt  }
0x70: {  	_ =	shalt  }
0x71: {  	_ =	shalt  }
0x72: {  	_ =	shalt  }
0x73: {  	_ =	shalt  }
0x74: {  	_ =	shalt  }
0x75: {  	_ =	shalt  }
0x76: {  	_ =	shalt  }
0x77: {  	_ =	shalt  }
0x78: {  	_ =	shalt  }
0x79: {  	_ =	shalt  }
0x7a: {  	_ =	shalt  }
0x7b: {  	_ =	shalt  }
0x7c: {  	_ =	shalt  }
0x7d: {  	_ =	shalt  }
0x7e: {  	_ =	shalt  }
0x7f: {  	_ =	shalt  }
0x80: {  	_ =	shalt  }
0x81: {  	_ =	shalt  }
0x82: {  	_ =	shalt  }
0x83: {  	_ =	shalt  }
0x84: {  	_ =	shalt  }
0x85: {  	_ =	shalt  }
0x86: {  	_ =	shalt  }
0x87: {  	_ =	shalt  }
.Lfunc_end0:
.L_simem_size_0:
called_computation_lowered:
.L_overlay_start_0:
0x88: {  	s2 =	sld [smem:$0x3FD9]  }
0x89: {  	s3 =	sld [smem:$0x3FFE];
	_ =	sdelay $0x1  }
0x8a: {  	s1 =	srdreg.scid  }
0x8b: {  	s0 =	sand.u32 $0x1, s1  }
0x8c: {  	s16 =	sshll.u32 s0, $0xA;
	s2 =	sadd.s32 s3, s2  }
0x8d: {  	s2 =	sadd.s32 s2, s16  }
0x8e: {  	[smem:$0x3FC2] =	sst s2  }
0x8f: {  	_ = 	snop  }
0x90: {  	(tm) =	ssettm $0x1  }
0x91: {  	s17 =	sld [smem:$0x3FFB];
	_ =	sdelay $0x3  }
0x92: {  	_ =	strace s17  }
0x93: {  	s2 =	sld [smem:$0x3FFC];
	_ =	sdelay $0x3  }
0x94: {  	_ =	strace s2  }
0x95: {  	s2 =	sld [smem:$0x3FFD];
	_ =	sdelay $0x3  }
0x96: {  	_ =	strace s2  }
0x97: {  	_ =	strace $0x8FFFFFFF  }
0x98: {  	s18 =	sld [smem:$0x3FDB];
	_ =	sdelay $0x1  }
0x99: {  	s19 =	simm.s32 $_scs_section_size  }
0x9a: {  	s4 =	simm.s32 $_size__tile_overlayer_lowered;
	s5 =	simm.s32 $_tile_overlayer_lowered  }
0x9b: {  	s22 =	simm.s32 $0x1BFF;
	s21 =	sshll.u32 s5, $0x1;
	s2 =	sadd.s32 s19, s18  }
0x9c: {  	s6 =	simm.s32 $0x0;
	s20 =	sshll.u32 s4, $0x1;
	s4 =	sadd.s32 s21, s2  }
0x9d: {  	[timem:s6], [sflag:s22] =	dma.local [hbm:s4], s20  }
0x9e: {  	_ =	swait.ge [sflag:s22], s20  }
0x9f: {  	s3 =	ssub.s32 $0x0, s20;
	[sflag:s22] =	ssyncset.done $0x0  }
0xa0: {  	[sflag:s22] =	ssyncadd.s32 s3;
	_ =	sdelay $0x1  }
0xa1: {  	s23 =	simm.s32 $0x1B8B  }
0xa2: {  	_ =	swait.ge [sflag:s23], $0x1  }
0xa3: {  	[sflag:s23] =	ssyncset.done $0x0  }
0xa4: {  	s25 =	simm.s32 $0x1B8E;
	s24 =	sld [smem:$0x3FFE];
	[sflag:s23] =	ssyncadd.s32 $0xFFFFFFFF  }
0xa5: {  	s26 =	simm.s32 $execute0_lowered;
	[smem:$0x3FD2] =	sst s25  }
0xa6: {  	s4 =	sshll.u32 s26, $0x1;
	_ =	strace $0x80000046;
	[dreg:$0x1] =	wrdreg $0xFFFFFFFF  }
0xa7: {  	s28 =	simm.s32 $_size_execute0_lowered;
	s2 =	sadd.s32 s2, s4;
	[dreg:$0x0] =	wrdreg $0x0  }
0xa8: {  	s4 =	sshll.u32 s28, $0x1;
	[dreg:$0x2] =	wrdreg s2  }
0xa9: {  	[dreg:$0x3] =	wrdreg s4  }
0xaa: {  	[dreg:$0x4] =	wrdreg $0xC0  }
0xab: {  	_ =	task [dreg:s6], $0x5FFFF  }
0xac: {  	[dreg:$0x1] =	wrdreg $0xFFFFFFFF  }
0xad: {  	[dreg:$0x0] =	wrdreg $0x60  }
0xae: {  	[dreg:$0x2] =	wrdreg s24  }
0xaf: {  	[dreg:$0x3] =	wrdreg $0x9  }
0xb0: {  	_ =	task.clear_ibuf [dreg:s6], $0x4FFFF;
	_ =	strace $0x90000046  }
0xb1: {  	s29 =	simm.s32 $0x9;
	_ =	strace $0x80000048  }
0xb2: {  	_ =	swait.ge [sflag:s29], $0x1  }
0xb3: {  	[sflag:s29] =	ssyncadd.s32 $0xFFFFFFFF  }
0xb4: {  	_ =	strace $0x90000048  }
0xb5: {  	_ =	sfence  }
0xb6: {  	s30 =	sld [smem:$0x0];
	_ =	sdelay $0x2  }
0xb7: {  	s31 =	sshll.u32 s1, $0xD;
	s1 =	sshrl.u32 s1, $0x2  }
0xb8: {  	s3 =	sand.u32 $0x4000, s31;
	s1 =	sadd.s32 s1, s30  }
0xb9: {  	s0 =	sor.u32 s3, s0;
	s1 =	sshll.u32 s1, $0x11  }
0xba: {  	s0 =	sor.u32 s1, s0  }
0xbb: {  	s0 =	sadd.s32 $0x8F2B, s0  }
0xbc: {  	[sflag:s0] =	ssyncadd.remote.s32 $0x1  }
0xbd: {  	_ =	sfence.sel $0xFFFF  }
0xbe: {  	[dreg:$0x0] =	wrdreg $0xFFFFFFFF;
	(pc) =	sbr.abs _section_cstart, $3  }
0xbf: {  	[dreg:$0x1] =	wrdreg $0xFFFFFFFF  }
0xc0: {  	_ =	task.clear_ibuf [dreg:s6], $0x2FFFF;
	_ =	strace $0x9FFFFFFF  }
0xc1: {  	(tm) =	ssettm $0x7FFFFFFF  }
tec
execute0_lowered:
.L_overlay_start_1:
0x0: {  	(tag) =	ssettag $0x1  }
0x1: {  	s1 =	srdreg.scid;
	s0 =	stileid.u32  }
0x2: {  	s10 =	sand.u32 $0x1, s1;
	s30 =	sshll.u32 s0, $0x1  }
0x3: {  	s11 =	sor.u32 s10, s30  }
0x4: {  	s12 =	rddreg [dreg:$0x0];
	s3 =	smul.u32 $0x30, s11  }
0x5: {  	s2 =	simm.s32 $0x0;
	s1 =	rddreg [dreg:$0x1]  }
0x6: {  	[smem:$0x7FF] =	sst s2;
	s3 =	sadd.s32 s3, s12  }
0x7: {  	_ =	strace $0x80000047;
	s4 =	sadd.s32 $0x1E00, s3;
	s3 =	simm.s32 $0x2  }
0x8: {  	[tilespmem:s2], [sflag:$0x2] =	stream.linear.gather [hbm4b:s4+s2], $0x180, $0x38;
	[tilespmem:$0xC180] =	vst v63  }
0x9: {  	_ =	swait.ge [sflag:s3], $0x180  }
0xa: {  	s6 =	simm.s32 $0x80;
	s7 =	simm.s32 $0x180;
	[sflag:s3] =	ssyncset.done $0x0  }
0xb: {  	s8 =	simm.s32 $0x1;
	s5 =	sadd.s32 $0x92FE00, s12;
	[sflag:s3] =	ssyncadd.s32 $0xFFFFFE80  }
0xc: {  	[tilespmem:s7], [sflag:$0x1] =	stream.indirect.gather [hbm4b:s5+s6], $0x80, s2, s6, $0xb8;
	[tilespmem:$0xC180] =	vst v63  }
0xd: {  	_ =	swait.ge [sflag:s8], $0x4000  }
0xe: {  	s9 =	simm.s32 $0x4180;
	[sflag:s8] =	ssyncset.done $0x0  }
0xf: {  	s14 =	ssub.s32 $0x2, s10;
	s10 =	simm.s32 $0x100;
	[sflag:s8] =	ssyncadd.s32 $0xFFFFC000  }
0x10: {  	[tilespmem:s9], [sflag:$0x1] =	stream.indirect.gather [hbm4b:s5+s6], $0x80, s6, s6, $0xb8;
	[tilespmem:$0xC180] =	vst v63  }
0x11: {  	s13 =	smul.u32 $0x1800, s11;
	s15 =	sshrl.u32 s14, $0x1;
	_ =	swait.ge [sflag:s8], $0x4000  }
0x12: {  	s11 =	simm.s32 $0x8180;
	s31 =	ssub.s32 s14, s15;
	[sflag:s8] =	ssyncset.done $0x0  }
0x13: {  	s12 =	sadd.s32 s13, s12;
	s13 =	smax.u32 s31, $0x1;
	[sflag:s8] =	ssyncadd.s32 $0xFFFFC000  }
0x14: {  	[tilespmem:s11], [sflag:$0x1] =	stream.indirect.gather [hbm4b:s5+s6], $0x80, s10, s6, $0xb8;
	[tilespmem:$0xC180] =	vst v63  }
0x15: {  	p0 =	sne.s32 s13, $0x1;
	_ =	swait.ge [sflag:s8], $0x4000  }
.Ltmp0:
0x16: {  	[sflag:s8] =	ssyncset.done $0x0;
	(pc) =	sbr.rel @!p0 .LBB2_2-.Ltmp0, $4  }
0x17: {  	s12 =	sadd.s32 $0x2400, s12;
	[sflag:s8] =	ssyncadd.s32 $0xFFFFC000  }
0x18: {  	[hbm4b:s12+s2] =	stream.linear.scatter [tilespmem:s7], [sflag:$0x2], $0xC000, $0x38;
	[tilespmem:$0xC180] =	vst v63  }
0x19: {  	_ =	swait.ge [sflag:s3], $0xC000  }
0x1a: {  	s13 =	sadd.s32 $0xFFFFFFFF, s13;
	[sflag:s3] =	ssyncset.done $0x0  }
.LBB2_1:
0x1b: {  	p0 =	sne.s32 s13, $0x1;
	s13 =	sadd.s32 $0xFFFFFFFF, s13;
	[sflag:s3] =	ssyncadd.s32 $0xFFFF4000  }
0x1c: {  	[tilespmem:s2], [sflag:$0x2] =	stream.linear.gather [hbm4b:s4+s2], $0x180, $0x38;
	[tilespmem:$0xC180] =	vst v63  }
0x1d: {  	_ =	swait.ge [sflag:s3], $0x180  }
0x1e: {  	[sflag:s3] =	ssyncset.done $0x0  }
0x1f: {  	[sflag:s3] =	ssyncadd.s32 $0xFFFFFE80  }
0x20: {  	[tilespmem:s7], [sflag:$0x1] =	stream.indirect.gather [hbm4b:s5+s6], $0x80, s2, s6, $0xb8;
	[tilespmem:$0xC180] =	vst v63  }
0x21: {  	_ =	swait.ge [sflag:s8], $0x4000  }
0x22: {  	[sflag:s8] =	ssyncset.done $0x0  }
0x23: {  	[sflag:s8] =	ssyncadd.s32 $0xFFFFC000  }
0x24: {  	[tilespmem:s9], [sflag:$0x1] =	stream.indirect.gather [hbm4b:s5+s6], $0x80, s6, s6, $0xb8;
	[tilespmem:$0xC180] =	vst v63  }
0x25: {  	_ =	swait.ge [sflag:s8], $0x4000  }
0x26: {  	[sflag:s8] =	ssyncset.done $0x0  }
0x27: {  	[sflag:s8] =	ssyncadd.s32 $0xFFFFC000  }
0x28: {  	[tilespmem:s11], [sflag:$0x1] =	stream.indirect.gather [hbm4b:s5+s6], $0x80, s10, s6, $0xb8;
	[tilespmem:$0xC180] =	vst v63  }
0x29: {  	_ =	swait.ge [sflag:s8], $0x4000  }
.Ltmp1:
0x2a: {  	[sflag:s8] =	ssyncset.done $0x0;
	(pc) =	sbr.rel @p0 .LBB2_1-.Ltmp1, $4  }
0x2b: {  	[sflag:s8] =	ssyncadd.s32 $0xFFFFC000  }
0x2c: {  	[hbm4b:s12+s2] =	stream.linear.scatter [tilespmem:s7], [sflag:$0x2], $0xC000, $0x38;
	[tilespmem:$0xC180] =	vst v63  }
0x2d: {  	_ =	swait.ge [sflag:s3], $0xC000  }
0x2e: {  	[sflag:s3] =	ssyncset.done $0x0  }
.LBB2_2:
0x2f: {  	[sflag:s3] =	ssyncadd.s32 $0xFFFF4000  }
0x30: {  	_ =	sfence.sel $0x180000  }
0x31: {  	[bflag:$0x0] =	sbarrier.arrive $0xFFFF  }
0x32: {  	p0 =	sne.s32 s0, $0x0;
	_ =	strace $0x90000047  }
0x33: {  	s0 =	sadd.s32 @!p0 $0x100000, s1;
	[bflag:$0x2] =	sbarrier.arrive $0xFFFF  }
0x34: {  	[sflag:s0] =	ssyncadd.tile.s32 @!p0 $0x1;
	_ =	shalt  }
.Lfunc_end2:
_tile_overlayer_lowered:
.L_overlay_start_2:
0x35: {  	(tag) =	ssettag $0x2  }
0x36: {  	s0 =	rddreg [dreg:$0x0];
	s2 =	stileid.u32  }
0x37: {  	s1 =	rddreg [dreg:$0x1];
	p0 =	sne.s32 s2, $0x0  }
0x38: {  	s3 =	rddreg [dreg:$0x2];
	[bflag:$0x3] =	sbarrier.arrive $0xFFFF;
	s2 =	simm.s32 @!p0 $0x1C02  }
0x39: {  	[timem:s3], [sflag:s2] =	dma.local @!p0 [hbm:s0], s1  }
0x3a: {  	s0 =	simm.s32 @!p0 $0x2  }
0x3b: {  	_ =	swait.ge @!p0 [sflag:s0], s1  }
0x3c: {  	s1 =	ssub.s32 @!p0 $0x0, s1;
	[sflag:s0] =	ssyncset.done @!p0 $0x0  }
0x3d: {  	[sflag:s0] =	ssyncadd.s32 @!p0 s1  }
0x3e: {  	[bflag:$0x3] =	sbarrier.arrive $0xFFFF  }
0x3f: {  	_ =	shalt  }

</sc_bundles>
